<compile_context>
chip_gen: v7x
topology: tpu7x:2x2x1
jax: 0.10.2.dev20260603
libtpu: 0.0.44.dev20260713+nightly
codegen_flags: <defaults>
</compile_context>

<pallas_src>
import functools
import numpy as np
import jax
import jax.numpy as jnp
from jax import lax
from jax.experimental import pallas as pl
from jax.experimental.pallas import tpu as pltpu
from jax.experimental.pallas import tpu_sc as plsc

N = 10000
E = 320000
NUM_SPECIES = 5
CUTOFF = 5.0
AVG_NEIGH = 32.0
NB = 8
FDIM = 128
NLAYERS = 4
SCAL = 32
NP1 = 8
NP2 = 4

EPAD = 327680
BE = 2560
BN = 2000
C = 256
CH_PER_TILE = EPAD // (32 * C)
NPAD = 10240
ROWS_T = NPAD // 16

def _consts():
    p4480 = np.zeros((44, 80), np.float32)
    for k in range(SCAL):
        p4480[k, k] = 1.0
    for p in range(NP1):
        for c in range(3):
            p4480[SCAL + p, SCAL + 3 * p + c] = 1.0
    for p in range(NP2):
        for c in range(5):
            p4480[SCAL + NP1 + p, SCAL + 24 + 5 * p + c] = 1.0
    q980 = np.zeros((9, 80), np.float32)
    q980[0, :SCAL] = 1.0
    for p in range(NP1):
        for c in range(3):
            q980[1 + c, SCAL + 3 * p + c] = 1.0
    for p in range(NP2):
        for c in range(5):
            q980[4 + c, SCAL + 24 + 5 * p + c] = 1.0
    rsum = np.zeros((80, 12), np.float32)
    for p in range(NP1):
        for c in range(3):
            rsum[SCAL + 3 * p + c, p] = 1.0
    for p in range(NP2):
        for c in range(5):
            rsum[SCAL + 24 + 5 * p + c, NP1 + p] = 1.0
    return p4480, q980, rsum

_P4480, _Q980, _RSUM = _consts()


def _silu(x):
    return x * jax.nn.sigmoid(x)


def _edge_w_body(rijt_ref, wr1t_ref, wr2t_ref, pt_ref, qt_ref, out_ref,
                 ycat_ref):
    rt = rijt_ref[...] * (1.0 / CUTOFF)
    x0 = rt[0:1, :]
    y0 = rt[1:2, :]
    z0 = rt[2:3, :]
    l2 = x0 * x0 + y0 * y0 + z0 * z0
    lengths = jnp.sqrt(l2)
    iszero = lengths == 0.0
    safe = jnp.where(iszero, 1.0, lengths)
    inv_safe = 1.0 / safe
    x = x0 * inv_safe
    y = y0 * inv_safe
    z = z0 * inv_safe
    s3 = np.float32(np.sqrt(3.0))
    s15 = np.float32(np.sqrt(15.0))
    be = rijt_ref.shape[1]
    ycat_ref[0:1, :] = jnp.ones((1, be), jnp.float32)
    ycat_ref[1:2, :] = s3 * x
    ycat_ref[2:3, :] = s3 * y
    ycat_ref[3:4, :] = s3 * z
    ycat_ref[4:5, :] = s15 * x * y
    ycat_ref[5:6, :] = s15 * y * z
    ycat_ref[6:7, :] = np.float32(np.sqrt(5.0) / 2.0) * (3.0 * z * z - 1.0)
    ycat_ref[7:8, :] = s15 * x * z
    ycat_ref[8:9, :] = np.float32(np.sqrt(15.0) / 2.0) * (x * x - y * y)
    ycat_ref[9:16, :] = jnp.zeros((7, be), jnp.float32)
    yqt = qt_ref[...] @ ycat_ref[...]
    nfreq = ((lax.broadcasted_iota(jnp.int32, (NB, 1), 0) + 1)
             .astype(jnp.float32) * np.float32(np.pi))
    rbt = np.float32(np.sqrt(2.0)) * jnp.sin(nfreq * lengths) * inv_safe
    rbt = jnp.where(iszero, 0.0, rbt)
    for l in range(NLAYERS):
        t1 = _silu(wr1t_ref[l] @ rbt)
        wr2pt = pt_ref[...] @ wr2t_ref[l]
        wt = (wr2pt @ t1) * yqt
        out_ref[l] = wt.T


def _edge_weights(rijt_pad, wr1ts, wr2ts):
    nblk = EPAD // BE
    return pl.pallas_call(
        _edge_w_body,
        grid=(nblk,),
        in_specs=[
            pl.BlockSpec((3, BE), lambda i: (0, i)),
            pl.BlockSpec((NLAYERS, 64, NB), lambda i: (0, 0, 0)),
            pl.BlockSpec((NLAYERS, 44, 64), lambda i: (0, 0, 0)),
            pl.BlockSpec((80, 44), lambda i: (0, 0)),
            pl.BlockSpec((80, 16), lambda i: (0, 0)),
        ],
        out_specs=pl.BlockSpec((NLAYERS, BE, 80), lambda i: (0, i, 0)),
        out_shape=jax.ShapeDtypeStruct((NLAYERS, EPAD, 80), jnp.float32),
        scratch_shapes=[pltpu.VMEM((16, BE), jnp.float32)],
    )(rijt_pad, wr1ts, wr2ts, jnp.asarray(_P4480.T.copy()),
      jnp.asarray(np.pad(_Q980, ((0, 7), (0, 0))).T.copy()))


def _node0_body(spec_ref, emb_ref, ws_ref, wp_ref, wd_ref, wself_ref, p_ref,
                soh_ref, pexp_ref, skip_ref):
    soh = (spec_ref[...] == lax.broadcasted_iota(jnp.int32, (1, NUM_SPECIES), 1))
    soh = soh.astype(jnp.float32)
    soh_ref[...] = soh
    scal = soh @ emb_ref[...]
    pexp = ((scal @ ws_ref[...]) @ p_ref[0:SCAL, :]
            + (scal @ wp_ref[...]) @ p_ref[SCAL:SCAL + NP1, :]
            + (scal @ wd_ref[...]) @ p_ref[SCAL + NP1:44, :])
    pexp_ref[...] = pexp
    skip = jnp.zeros((spec_ref.shape[0], SCAL), jnp.float32)
    for s in range(NUM_SPECIES):
        skip = skip + soh[:, s:s + 1] * (scal @ wself_ref[s])
    skip_ref[...] = skip


def _node0(spec2, emb, ws, wp, wd, wself):
    nblk = N // BN
    return pl.pallas_call(
        _node0_body,
        grid=(nblk,),
        in_specs=[
            pl.BlockSpec((BN, 1), lambda i: (i, 0)),
            pl.BlockSpec((NUM_SPECIES, FDIM), lambda i: (0, 0)),
            pl.BlockSpec((FDIM, SCAL), lambda i: (0, 0)),
            pl.BlockSpec((FDIM, NP1), lambda i: (0, 0)),
            pl.BlockSpec((FDIM, NP2), lambda i: (0, 0)),
            pl.BlockSpec((NUM_SPECIES, FDIM, SCAL), lambda i: (0, 0, 0)),
            pl.BlockSpec((44, 80), lambda i: (0, 0)),
        ],
        out_specs=[
            pl.BlockSpec((BN, NUM_SPECIES), lambda i: (i, 0)),
            pl.BlockSpec((BN, 80), lambda i: (i, 0)),
            pl.BlockSpec((BN, SCAL), lambda i: (i, 0)),
        ],
        out_shape=[
            jax.ShapeDtypeStruct((N, NUM_SPECIES), jnp.float32),
            jax.ShapeDtypeStruct((N, 80), jnp.float32),
            jax.ShapeDtypeStruct((N, SCAL), jnp.float32),
        ],
    )(spec2, emb, ws, wp, wd, wself, jnp.asarray(_P4480))


def _nodeab_body(l_ref, acc_ref, skip_ref, soh_ref, rsum_ref, winv_ref,
                 ws_ref, wp_ref, wd_ref, wself_ref, p_ref,
                 pexp_ref, skipn_ref):
    del l_ref
    acc = (acc_ref[0] + acc_ref[1]) * (1.0 / AVG_NEIGH)
    scal = _silu(acc[:, 0:SCAL] + skip_ref[...])
    inv = (acc * acc) @ rsum_ref[...]
    scal = scal + inv @ winv_ref[0]
    pexp = ((scal @ ws_ref[0]) @ p_ref[0:SCAL, :]
            + (scal @ wp_ref[0]) @ p_ref[SCAL:SCAL + NP1, :]
            + (scal @ wd_ref[0]) @ p_ref[SCAL + NP1:44, :])
    pexp_ref[...] = pexp
    soh = soh_ref[...]
    skip = jnp.zeros((acc_ref.shape[1], SCAL), jnp.float32)
    for s in range(NUM_SPECIES):
        skip = skip + soh[:, s:s + 1] * (scal @ wself_ref[0, s])
    skipn_ref[...] = skip


def _nodeab(l, acc2, skip, soh, winvS, wsS, wpS, wdS, wselfS):
    nblk = N // BN
    grid_spec = pltpu.PrefetchScalarGridSpec(
        num_scalar_prefetch=1,
        grid=(nblk,),
        in_specs=[
            pl.BlockSpec((2, BN, 80), lambda i, s: (0, i, 0)),
            pl.BlockSpec((BN, SCAL), lambda i, s: (i, 0)),
            pl.BlockSpec((BN, NUM_SPECIES), lambda i, s: (i, 0)),
            pl.BlockSpec((80, 12), lambda i, s: (0, 0)),
            pl.BlockSpec((1, 12, SCAL), lambda i, s: (s[0], 0, 0)),
            pl.BlockSpec((1, SCAL, SCAL), lambda i, s: (s[0], 0, 0)),
            pl.BlockSpec((1, SCAL, NP1), lambda i, s: (s[0], 0, 0)),
            pl.BlockSpec((1, SCAL, NP2), lambda i, s: (s[0], 0, 0)),
            pl.BlockSpec((1, NUM_SPECIES, SCAL, SCAL),
                         lambda i, s: (s[0], 0, 0, 0)),
            pl.BlockSpec((44, 80), lambda i, s: (0, 0)),
        ],
        out_specs=[
            pl.BlockSpec((BN, 80), lambda i, s: (i, 0)),
            pl.BlockSpec((BN, SCAL), lambda i, s: (i, 0)),
        ],
    )
    return pl.pallas_call(
        _nodeab_body,
        grid_spec=grid_spec,
        out_shape=[
            jax.ShapeDtypeStruct((N, 80), jnp.float32),
            jax.ShapeDtypeStruct((N, SCAL), jnp.float32),
        ],
    )(jnp.full((1,), l, jnp.int32), acc2, skip, soh, jnp.asarray(_RSUM),
      winvS, wsS, wpS, wdS, wselfS, jnp.asarray(_P4480))


def _final_body(acc_ref, skip_ref, rsum_ref, winv_ref, w1_ref, w2_ref, out_ref):
    i = pl.program_id(0)
    acc = (acc_ref[0] + acc_ref[1]) * (1.0 / AVG_NEIGH)
    scal = _silu(acc[:, 0:SCAL] + skip_ref[...])
    inv = (acc * acc) @ rsum_ref[...]
    scal = scal + inv @ winv_ref[...]
    e = (scal @ w1_ref[...]) @ w2_ref[...]
    t = jnp.sum(e[:, 0:1], axis=0, keepdims=True)

    @pl.when(i == 0)
    def _():
        out_ref[...] = jnp.zeros_like(out_ref)

    out_ref[...] += t


def _final(acc2, skip, winv, w1, w2):
    nblk = N // BN
    return pl.pallas_call(
        _final_body,
        grid=(nblk,),
        in_specs=[
            pl.BlockSpec((2, BN, 80), lambda i: (0, i, 0)),
            pl.BlockSpec((BN, SCAL), lambda i: (i, 0)),
            pl.BlockSpec((80, 12), lambda i: (0, 0)),
            pl.BlockSpec((12, SCAL), lambda i: (0, 0)),
            pl.BlockSpec((SCAL, 16), lambda i: (0, 0)),
            pl.BlockSpec((16, 2), lambda i: (0, 0)),
        ],
        out_specs=pl.BlockSpec((1, 1), lambda i: (0, 0)),
        out_shape=jax.ShapeDtypeStruct((1, 1), jnp.float32),
    )(acc2, skip, jnp.asarray(_RSUM), winv, w1, w2)


@functools.cache
def _get_sc_edge_pass():
    mesh = plsc.VectorSubcoreMesh(core_axis_name="c", subcore_axis_name="s",
                                  num_cores=2, num_subcores=16)
    return functools.partial(
        pl.kernel,
        out_type=jax.ShapeDtypeStruct((2 * NPAD, 80), jnp.float32),
        mesh=mesh,
        scratch_types=[
            pltpu.VMEM((C,), jnp.int32),
            [pltpu.VMEM((128,), jnp.int32)] * (C // 128),
            pltpu.VMEM((C, 80), jnp.float32),
            pltpu.VMEM((C, 80), jnp.float32),
            pltpu.VMEM_SHARED((NPAD, 80), jnp.float32),
            pltpu.VMEM((16,), jnp.int32),
            pltpu.VMEM((C,), jnp.int32),
            pltpu.SemaphoreType.DMA,
        ],
        compiler_params=pltpu.CompilerParams(use_tc_tiling_on_sc=False),
    )(_sc_edge_body)


def _sc_edge_body(pexp_hbm, w_hbm, snd_hbm, rcv_hbm, lsel_hbm, out_hbm,
                  sidx, ridx, gbuf, wbuf, acc, lvm, widx, sem):
    cid = lax.axis_index("c")
    sid = lax.axis_index("s")
    tid = cid * 16 + sid
    pltpu.sync_copy(lsel_hbm, lvm)

    def _zrow(i, _):
        for j in range(5):
            gbuf[i, pl.ds(16 * j, 16)] = jnp.zeros((16,), jnp.float32)
        return 0
    lax.fori_loop(0, C, _zrow, 0)
    r0 = sid * ROWS_T
    nfull, rem = divmod(ROWS_T, C)
    for t in range(nfull):
        pltpu.sync_copy(gbuf, acc.at[pl.ds(r0 + t * C, C)])
    if rem:
        pltpu.sync_copy(gbuf.at[pl.ds(0, rem)],
                        acc.at[pl.ds(r0 + nfull * C, rem)])
    plsc.subcore_barrier()

    base_e = tid * (CH_PER_TILE * C)

    def _chunk(k, _):
        b = base_e + k * C
        pltpu.sync_copy(snd_hbm.at[pl.ds(b, C)], sidx)
        for j in range(C // 128):
            pltpu.sync_copy(rcv_hbm.at[pl.ds(b + 128 * j, 128)], ridx[j])
        lv = lvm[...] + b
        ramp = lax.iota(jnp.int32, 16)
        for j in range(C // 16):
            widx[pl.ds(16 * j, 16)] = lv + (ramp + 16 * j)
        pltpu.async_copy(pexp_hbm.at[sidx], gbuf, sem).wait()
        pltpu.async_copy(w_hbm.at[widx], wbuf, sem).wait()

        def _mrow(i, _):
            for j in range(5):
                sl = pl.ds(16 * j, 16)
                gbuf[i, sl] = gbuf[i, sl] * wbuf[i, sl]
            return 0
        lax.fori_loop(0, C, _mrow, 0)
        for j in range(C // 128):
            pltpu.sync_copy(gbuf.at[pl.ds(128 * j, 128)],
                            acc.at[ridx[j]], add=True)
        return 0
    lax.fori_loop(0, CH_PER_TILE, _chunk, 0)
    plsc.subcore_barrier()
    pltpu.sync_copy(acc.at[pl.ds(r0, ROWS_T)],
                    out_hbm.at[pl.ds(cid * NPAD + r0, ROWS_T)])


def kernel(Rij, senders, receivers, species, n_node, params):
    del n_node
    rijt_pad = jnp.pad(Rij.T, ((0, 0), (0, EPAD - E)))
    snd = jnp.pad(senders.astype(jnp.int32), (0, EPAD - E))
    rcv = jnp.pad(receivers.astype(jnp.int32), (0, EPAD - E))
    spec2 = species.astype(jnp.int32).reshape(N, 1)

    wr1ts = jnp.stack([params['L%d_Wr1' % l].T for l in range(NLAYERS)])
    wr2ts = jnp.stack([params['L%d_Wr2' % l].T for l in range(NLAYERS)])
    wall = _edge_weights(rijt_pad, wr1ts, wr2ts)
    wall2 = wall.reshape(NLAYERS * EPAD, 80)

    soh, pexp, skip = _node0(
        spec2, params['embed'], params['L0_Ws'], params['L0_Wp'],
        params['L0_Wd'], params['L0_Wself'])

    winvS = jnp.stack([params['L%d_Winv' % l] for l in range(NLAYERS)])
    nxt = [1, 2, 3, 3]
    wsS = jnp.stack([params['L%d_Ws' % l] for l in nxt])
    wpS = jnp.stack([params['L%d_Wp' % l] for l in nxt])
    wdS = jnp.stack([params['L%d_Wd' % l] for l in nxt])
    wselfS = jnp.stack([params['L%d_Wself' % l] for l in nxt])

    sc_call = _get_sc_edge_pass()

    def body(l, carry):
        pexp_l, skip_l, _, _ = carry
        lsel = jnp.full((16,), l * EPAD, jnp.int32)
        accf = sc_call(pexp_l, wall2, snd, rcv, lsel)
        pexp_n, skip_n = _nodeab(l, accf.reshape(2, NPAD, 80), skip_l, soh,
                                 winvS, wsS, wpS, wdS, wselfS)
        return (pexp_n, skip_n, skip_l, accf)

    init = (pexp, skip, skip, jnp.zeros((2 * NPAD, 80), jnp.float32))
    _, _, skip3, acc3f = lax.fori_loop(0, NLAYERS, body, init)
    out = _final(acc3f.reshape(2, NPAD, 80), skip3, params['L3_Winv'],
                 params['Wout1'], params['Wout2'])
    return out.reshape(-1)

# --- scband reference (transcript-rebuilt; emitter-appended) ---
"""Pipeline reference for scband-graph-nn-68676527063643 (READ-ONLY COPY).

The authoritative reference and input builder live on the scoring server;
editing this copy changes nothing except your own understanding.
"""

import jax, jax.numpy as jnp
import numpy as np

N = 10000
E = 320000
NUM_SPECIES = 5
CUTOFF = 5.0
AVG_NEIGH = 32.0
NB = 8
FDIM = 128
NLAYERS = 4
SCAL = 32
NP1 = 8
NP2 = 4


def _make_params(key):
    params = {}
    k = jax.random.fold_in(key, 7)
    params['embed'] = jax.random.normal(k, (NUM_SPECIES, FDIM), jnp.float32) * 0.1
    d_in = FDIM
    for i in range(NLAYERS):
        kk = jax.random.split(jax.random.fold_in(key, 100 + i), 7)
        s = 1.0 / np.sqrt(d_in)
        params['L%d_Ws' % i] = jax.random.normal(kk[0], (d_in, SCAL), jnp.float32) * s
        params['L%d_Wp' % i] = jax.random.normal(kk[1], (d_in, NP1), jnp.float32) * s
        params['L%d_Wd' % i] = jax.random.normal(kk[2], (d_in, NP2), jnp.float32) * s
        params['L%d_Wr1' % i] = jax.random.normal(kk[3], (NB, 64), jnp.float32) / np.sqrt(NB)
        params['L%d_Wr2' % i] = jax.random.normal(kk[4], (64, SCAL + NP1 + NP2), jnp.float32) / 8.0
        params['L%d_Wself' % i] = jax.random.normal(kk[5], (NUM_SPECIES, d_in, SCAL), jnp.float32) * s
        params['L%d_Winv' % i] = jax.random.normal(kk[6], (NP1 + NP2, SCAL), jnp.float32) * 0.1
        d_in = SCAL
    kk = jax.random.split(jax.random.fold_in(key, 999), 2)
    params['Wout1'] = jax.random.normal(kk[0], (SCAL, 16), jnp.float32) / np.sqrt(SCAL)
    params['Wout2'] = jax.random.normal(kk[1], (16, 2), jnp.float32) / 4.0
    return params


def setup_inputs(seed: int = 0):
    key = jax.random.key(seed)
    ks = jax.random.split(key, 4)
    Rij = jax.random.normal(ks[0], (E, 3), jnp.float32) * 2.0
    senders = jax.random.randint(ks[1], (E,), 0, N)
    receivers = jax.random.randint(ks[2], (E,), 0, N)
    species = jax.random.randint(ks[3], (N,), 0, NUM_SPECIES)
    params = _make_params(key)
    return {'Rij': Rij, 'senders': senders, 'receivers': receivers, 'species': species, 'n_node': N, 'params': params}


def _forward(Rij, params, senders, receivers, species, n_node):
    Rn = Rij / CUTOFF
    lengths = jnp.linalg.norm(Rn, axis=1)
    safe = jnp.where(lengths == 0.0, 1.0, lengths)
    u = Rn / safe[:, None]
    x, y, z = u[:, 0], u[:, 1], u[:, 2]
    Y1 = jnp.sqrt(3.0) * jnp.stack([x, y, z], axis=-1)
    Y2 = jnp.stack([
        jnp.sqrt(15.0) * x * y,
        jnp.sqrt(15.0) * y * z,
        jnp.sqrt(5.0) / 2.0 * (3.0 * z * z - 1.0),
        jnp.sqrt(15.0) * x * z,
        jnp.sqrt(15.0) / 2.0 * (x * x - y * y),
    ], axis=-1)
    nfreq = jnp.arange(1, NB + 1, dtype=jnp.float32)
    rb = jnp.where((lengths == 0.0)[:, None], 0.0,
                   jnp.sqrt(2.0) * jnp.sin(nfreq[None, :] * jnp.pi * lengths[:, None]) / safe[:, None])
    scal = params['embed'][species]
    nnodes = scal.shape[0]
    for i in range(NLAYERS):
        h = scal[senders]
        ps = h @ params['L%d_Ws' % i]
        pp = h @ params['L%d_Wp' % i]
        pd = h @ params['L%d_Wd' % i]
        rw = jax.nn.silu(rb @ params['L%d_Wr1' % i]) @ params['L%d_Wr2' % i]
        m0 = ps * rw[:, :SCAL]
        m1 = (pp * rw[:, SCAL:SCAL + NP1])[:, :, None] * Y1[:, None, :]
        m2 = (pd * rw[:, SCAL + NP1:])[:, :, None] * Y2[:, None, :]
        a0 = jax.ops.segment_sum(m0, receivers, num_segments=nnodes) / AVG_NEIGH
        a1 = jax.ops.segment_sum(m1.reshape(m1.shape[0], -1), receivers, num_segments=nnodes) / AVG_NEIGH
        a2 = jax.ops.segment_sum(m2.reshape(m2.shape[0], -1), receivers, num_segments=nnodes) / AVG_NEIGH
        Wself = params['L%d_Wself' % i][species]
        skip = jnp.einsum('nd,ndk->nk', scal, Wself)
        scal = jax.nn.silu(a0 + skip)
        vec1 = a1.reshape(nnodes, NP1, 3)
        vec2 = a2.reshape(nnodes, NP2, 5)
        inv = jnp.concatenate([jnp.sum(vec1 * vec1, axis=2), jnp.sum(vec2 * vec2, axis=2)], axis=1)
        scal = scal + inv @ params['L%d_Winv' % i]
    features = (scal @ params['Wout1']) @ params['Wout2']
    energy = jax.ops.segment_sum(features[:, 0], jnp.zeros((nnodes,), dtype=jnp.int32), num_segments=1)
    return energy.reshape(-1)


def reference(Rij, senders, receivers, species, n_node, params):
    return _forward(Rij, params, senders, receivers, species, n_node)

if __name__ == "__main__":
    import jax
    _d = setup_inputs()
    print(jax.jit(kernel)(*tuple(_d.values())))

</pallas_src>

<mosaic_0001>
#map = affine_map<(d0, d1) -> (0, 0)>
#map1 = affine_map<(d0, d1) -> (0)>
module attributes {stable_mosaic.version = 14 : i64} {
  func.func @_sc_edge_body(%arg0: i32, %arg1: i32, %arg2: memref<10000x80xf32, #tpu.memory_space<hbm>>, %arg3: memref<1310720x80xf32, #tpu.memory_space<hbm>>, %arg4: memref<327680xi32, #tpu.memory_space<hbm>>, %arg5: memref<327680xi32, #tpu.memory_space<hbm>>, %arg6: memref<16xi32, #tpu.memory_space<hbm>>, %arg7: memref<20480x80xf32, #tpu.memory_space<hbm>>, %arg8: memref<256xi32, #tpu.memory_space<vmem>>, %arg9: memref<128xi32, #tpu.memory_space<vmem>>, %arg10: memref<128xi32, #tpu.memory_space<vmem>>, %arg11: memref<256x80xf32, #tpu.memory_space<vmem>>, %arg12: memref<256x80xf32, #tpu.memory_space<vmem>>, %arg13: memref<10240x80xf32, #tpu.memory_space<vmem_shared>>, %arg14: memref<16xi32, #tpu.memory_space<vmem>>, %arg15: memref<256xi32, #tpu.memory_space<vmem>>, %arg16: memref<!tpu.dma_semaphore, #tpu.memory_space<semaphore_mem>>) attributes {dimension_semantics = [#tpu.dimension_semantics<core_parallel>, #tpu.dimension_semantics<subcore_parallel>], iteration_bounds = array<i64: 2, 16>, scalar_prefetch = 0 : i64, scratch_operands = 9 : i64, tpu.core_type = #tpu.core_type<sc_vector_subcore>, window_params = [{transform_indices = #map}, {transform_indices = #map}, {transform_indices = #map1}, {transform_indices = #map1}, {transform_indices = #map1}, {transform_indices = #map}]} {
    %mul3A = arith.constant 16 : i32
    %mul3A_0 = arith.muli %arg0, %mul3A : i32
    %add3A = arith.addi %mul3A_0, %arg1 : i32
    "tpu.region"() ({
      %run_scoped3A = tpu.sem_alloc : memref<!tpu.dma_semaphore, #tpu.memory_space<semaphore_mem>>
      tpu.enqueue_dma source(%arg6 : memref<16xi32, #tpu.memory_space<hbm>>) target(%arg14 : memref<16xi32, #tpu.memory_space<vmem>>) target_semaphore(%run_scoped3A : memref<!tpu.dma_semaphore, #tpu.memory_space<semaphore_mem>>)
      tpu.wait_dma2 semaphore(%run_scoped3A : memref<!tpu.dma_semaphore, #tpu.memory_space<semaphore_mem>>) src(%arg6 : memref<16xi32, #tpu.memory_space<hbm>>) dst(%arg14 : memref<16xi32, #tpu.memory_space<vmem>>)
      tpu.yield
    }) : () -> ()
    %scan3A = arith.constant 0 : i32
    %scan3A_1 = arith.constant 0 : i32
    %scan3A_2 = arith.constant 256 : i32
    %scan3A_3 = arith.addi %scan3A_1, %scan3A_2 : i32
    %scan3A_4 = arith.constant 1 : i32
    %scan3A_5 = scf.for %scan3A_28 = %scan3A_1 to %scan3A_3 step %scan3A_4 iter_args(%scan3A_29 = %scan3A) -> (i32)  : i32 {
      %broadcast_in_dim3A = arith.constant 0.000000e+00 : f32
      %broadcast_in_dim3A_30 = vector.broadcast %broadcast_in_dim3A : f32 to vector<16xf32>
      %swap3A = arith.index_cast %scan3A_28 : i32 to index
      %swap3A_31 = arith.constant 0 : index
      %swap3A_32 = tpu.vector_load %arg11[%swap3A, %swap3A_31] {strides = array<i32>} : memref<256x80xf32, #tpu.memory_space<vmem>>, vector<1x16xf32>,
      %swap3A_33 = vector.shape_cast %swap3A_32 : vector<1x16xf32> to vector<16xf32>
      %swap3A_34 = vector.shape_cast %broadcast_in_dim3A_30 : vector<16xf32> to vector<1x16xf32>
      tpu.vector_store %arg11[%swap3A, %swap3A_31], %swap3A_34 {strides = array<i32>} : memref<256x80xf32, #tpu.memory_space<vmem>>, vector<1x16xf32>,
      %broadcast_in_dim3A_35 = arith.constant 0.000000e+00 : f32
      %broadcast_in_dim3A_36 = vector.broadcast %broadcast_in_dim3A_35 : f32 to vector<16xf32>
      %swap3A_37 = arith.index_cast %scan3A_28 : i32 to index
      %swap3A_38 = arith.constant 16 : index
      %swap3A_39 = tpu.vector_load %arg11[%swap3A_37, %swap3A_38] {strides = array<i32>} : memref<256x80xf32, #tpu.memory_space<vmem>>, vector<1x16xf32>,
      %swap3A_40 = vector.shape_cast %swap3A_39 : vector<1x16xf32> to vector<16xf32>
      %swap3A_41 = vector.shape_cast %broadcast_in_dim3A_36 : vector<16xf32> to vector<1x16xf32>
      tpu.vector_store %arg11[%swap3A_37, %swap3A_38], %swap3A_41 {strides = array<i32>} : memref<256x80xf32, #tpu.memory_space<vmem>>, vector<1x16xf32>,
      %broadcast_in_dim3A_42 = arith.constant 0.000000e+00 : f32
      %broadcast_in_dim3A_43 = vector.broadcast %broadcast_in_dim3A_42 : f32 to vector<16xf32>
      %swap3A_44 = arith.index_cast %scan3A_28 : i32 to index
      %swap3A_45 = arith.constant 32 : index
      %swap3A_46 = tpu.vector_load %arg11[%swap3A_44, %swap3A_45] {strides = array<i32>} : memref<256x80xf32, #tpu.memory_space<vmem>>, vector<1x16xf32>,
      %swap3A_47 = vector.shape_cast %swap3A_46 : vector<1x16xf32> to vector<16xf32>
      %swap3A_48 = vector.shape_cast %broadcast_in_dim3A_43 : vector<16xf32> to vector<1x16xf32>
      tpu.vector_store %arg11[%swap3A_44, %swap3A_45], %swap3A_48 {strides = array<i32>} : memref<256x80xf32, #tpu.memory_space<vmem>>, vector<1x16xf32>,
      %broadcast_in_dim3A_49 = arith.constant 0.000000e+00 : f32
      %broadcast_in_dim3A_50 = vector.broadcast %broadcast_in_dim3A_49 : f32 to vector<16xf32>
      %swap3A_51 = arith.index_cast %scan3A_28 : i32 to index
      %swap3A_52 = arith.constant 48 : index
      %swap3A_53 = tpu.vector_load %arg11[%swap3A_51, %swap3A_52] {strides = array<i32>} : memref<256x80xf32, #tpu.memory_space<vmem>>, vector<1x16xf32>,
      %swap3A_54 = vector.shape_cast %swap3A_53 : vector<1x16xf32> to vector<16xf32>
      %swap3A_55 = vector.shape_cast %broadcast_in_dim3A_50 : vector<16xf32> to vector<1x16xf32>
      tpu.vector_store %arg11[%swap3A_51, %swap3A_52], %swap3A_55 {strides = array<i32>} : memref<256x80xf32, #tpu.memory_space<vmem>>, vector<1x16xf32>,
      %broadcast_in_dim3A_56 = arith.constant 0.000000e+00 : f32
      %broadcast_in_dim3A_57 = vector.broadcast %broadcast_in_dim3A_56 : f32 to vector<16xf32>
      %swap3A_58 = arith.index_cast %scan3A_28 : i32 to index
      %swap3A_59 = arith.constant 64 : index
      %swap3A_60 = tpu.vector_load %arg11[%swap3A_58, %swap3A_59] {strides = array<i32>} : memref<256x80xf32, #tpu.memory_space<vmem>>, vector<1x16xf32>,
      %swap3A_61 = vector.shape_cast %swap3A_60 : vector<1x16xf32> to vector<16xf32>
      %swap3A_62 = vector.shape_cast %broadcast_in_dim3A_57 : vector<16xf32> to vector<1x16xf32>
      tpu.vector_store %arg11[%swap3A_58, %swap3A_59], %swap3A_62 {strides = array<i32>} : memref<256x80xf32, #tpu.memory_space<vmem>>, vector<1x16xf32>,
      %scan3A_63 = arith.constant 0 : i32
      scf.yield %scan3A_63 : i32
    }
    %scan3A_6 = arith.constant 256 : i32
    %mul3A_7 = arith.constant 640 : i32
    %mul3A_8 = arith.muli %arg1, %mul3A_7 : i32
    %add3A_9 = arith.constant 0 : i32
    %add3A_10 = arith.addi %mul3A_8, %add3A_9 : i32
    "tpu.region"() ({
      %run_scoped3A = tpu.sem_alloc : memref<!tpu.dma_semaphore, #tpu.memory_space<semaphore_mem>>
      %dma_start3A = arith.constant 0 : i32
      %dma_start3A_28 = tpu.memref_slice %arg13[%add3A_10, %dma_start3A] : memref<10240x80xf32, #tpu.memory_space<vmem_shared>> -> memref<256x80xf32, #tpu.memory_space<vmem_shared>>
      %dma_start3A_29 = arith.constant 0 : i32
      %dma_start3A_30 = tpu.memref_slice %arg13[%add3A_10, %dma_start3A_29] : memref<10240x80xf32, #tpu.memory_space<vmem_shared>> -> memref<256x80xf32, #tpu.memory_space<vmem_shared>>
      tpu.enqueue_dma source(%arg11 : memref<256x80xf32, #tpu.memory_space<vmem>>) target(%dma_start3A_30 : memref<256x80xf32, #tpu.memory_space<vmem_shared>>) target_semaphore(%run_scoped3A : memref<!tpu.dma_semaphore, #tpu.memory_space<semaphore_mem>>)
      %dma_wait3A = arith.constant 0 : i32
      %dma_wait3A_31 = tpu.memref_slice %arg13[%add3A_10, %dma_wait3A] : memref<10240x80xf32, #tpu.memory_space<vmem_shared>> -> memref<256x80xf32, #tpu.memory_space<vmem_shared>>
      %dma_wait3A_32 = arith.constant 0 : i32
      %dma_wait3A_33 = tpu.memref_slice %arg13[%add3A_10, %dma_wait3A_32] : memref<10240x80xf32, #tpu.memory_space<vmem_shared>> -> memref<256x80xf32, #tpu.memory_space<vmem_shared>>
      tpu.wait_dma2 semaphore(%run_scoped3A : memref<!tpu.dma_semaphore, #tpu.memory_space<semaphore_mem>>) src(%arg11 : memref<256x80xf32, #tpu.memory_space<vmem>>) dst(%dma_wait3A_33 : memref<256x80xf32, #tpu.memory_space<vmem_shared>>)
      tpu.yield
    }) : () -> ()
    %add3A_11 = arith.constant 256 : i32
    %add3A_12 = arith.addi %mul3A_8, %add3A_11 : i32
    "tpu.region"() ({
      %run_scoped3A = tpu.sem_alloc : memref<!tpu.dma_semaphore, #tpu.memory_space<semaphore_mem>>
      %dma_start3A = arith.constant 0 : i32
      %dma_start3A_28 = tpu.memref_slice %arg13[%add3A_12, %dma_start3A] : memref<10240x80xf32, #tpu.memory_space<vmem_shared>> -> memref<256x80xf32, #tpu.memory_space<vmem_shared>>
      %dma_start3A_29 = arith.constant 0 : i32
      %dma_start3A_30 = tpu.memref_slice %arg13[%add3A_12, %dma_start3A_29] : memref<10240x80xf32, #tpu.memory_space<vmem_shared>> -> memref<256x80xf32, #tpu.memory_space<vmem_shared>>
      tpu.enqueue_dma source(%arg11 : memref<256x80xf32, #tpu.memory_space<vmem>>) target(%dma_start3A_30 : memref<256x80xf32, #tpu.memory_space<vmem_shared>>) target_semaphore(%run_scoped3A : memref<!tpu.dma_semaphore, #tpu.memory_space<semaphore_mem>>)
      %dma_wait3A = arith.constant 0 : i32
      %dma_wait3A_31 = tpu.memref_slice %arg13[%add3A_12, %dma_wait3A] : memref<10240x80xf32, #tpu.memory_space<vmem_shared>> -> memref<256x80xf32, #tpu.memory_space<vmem_shared>>
      %dma_wait3A_32 = arith.constant 0 : i32
      %dma_wait3A_33 = tpu.memref_slice %arg13[%add3A_12, %dma_wait3A_32] : memref<10240x80xf32, #tpu.memory_space<vmem_shared>> -> memref<256x80xf32, #tpu.memory_space<vmem_shared>>
      tpu.wait_dma2 semaphore(%run_scoped3A : memref<!tpu.dma_semaphore, #tpu.memory_space<semaphore_mem>>) src(%arg11 : memref<256x80xf32, #tpu.memory_space<vmem>>) dst(%dma_wait3A_33 : memref<256x80xf32, #tpu.memory_space<vmem_shared>>)
      tpu.yield
    }) : () -> ()
    %add3A_13 = arith.constant 512 : i32
    %add3A_14 = arith.addi %mul3A_8, %add3A_13 : i32
    "tpu.region"() ({
      %run_scoped3A = tpu.sem_alloc : memref<!tpu.dma_semaphore, #tpu.memory_space<semaphore_mem>>
      %dma_start3A = arith.constant 0 : i32
      %dma_start3A_28 = arith.constant 0 : i32
      %dma_start3A_29 = tpu.memref_slice %arg11[%dma_start3A, %dma_start3A_28] : memref<256x80xf32, #tpu.memory_space<vmem>> -> memref<128x80xf32, #tpu.memory_space<vmem>>
      %dma_start3A_30 = arith.constant 0 : i32
      %dma_start3A_31 = tpu.memref_slice %arg13[%add3A_14, %dma_start3A_30] : memref<10240x80xf32, #tpu.memory_space<vmem_shared>> -> memref<128x80xf32, #tpu.memory_space<vmem_shared>>
      %dma_start3A_32 = arith.constant 0 : i32
      %dma_start3A_33 = tpu.memref_slice %arg13[%add3A_14, %dma_start3A_32] : memref<10240x80xf32, #tpu.memory_space<vmem_shared>> -> memref<128x80xf32, #tpu.memory_space<vmem_shared>>
      %dma_start3A_34 = arith.constant 0 : i32
      %dma_start3A_35 = arith.constant 0 : i32
      %dma_start3A_36 = tpu.memref_slice %arg11[%dma_start3A_34, %dma_start3A_35] : memref<256x80xf32, #tpu.memory_space<vmem>> -> memref<128x80xf32, #tpu.memory_space<vmem>>
      tpu.enqueue_dma source(%dma_start3A_36 : memref<128x80xf32, #tpu.memory_space<vmem>>) target(%dma_start3A_33 : memref<128x80xf32, #tpu.memory_space<vmem_shared>>) target_semaphore(%run_scoped3A : memref<!tpu.dma_semaphore, #tpu.memory_space<semaphore_mem>>)
      %dma_wait3A = arith.constant 0 : i32
      %dma_wait3A_37 = arith.constant 0 : i32
      %dma_wait3A_38 = tpu.memref_slice %arg11[%dma_wait3A, %dma_wait3A_37] : memref<256x80xf32, #tpu.memory_space<vmem>> -> memref<128x80xf32, #tpu.memory_space<vmem>>
      %dma_wait3A_39 = arith.constant 0 : i32
      %dma_wait3A_40 = tpu.memref_slice %arg13[%add3A_14, %dma_wait3A_39] : memref<10240x80xf32, #tpu.memory_space<vmem_shared>> -> memref<128x80xf32, #tpu.memory_space<vmem_shared>>
      %dma_wait3A_41 = arith.constant 0 : i32
      %dma_wait3A_42 = tpu.memref_slice %arg13[%add3A_14, %dma_wait3A_41] : memref<10240x80xf32, #tpu.memory_space<vmem_shared>> -> memref<128x80xf32, #tpu.memory_space<vmem_shared>>
      %dma_wait3A_43 = arith.constant 0 : i32
      %dma_wait3A_44 = arith.constant 0 : i32
      %dma_wait3A_45 = tpu.memref_slice %arg11[%dma_wait3A_43, %dma_wait3A_44] : memref<256x80xf32, #tpu.memory_space<vmem>> -> memref<128x80xf32, #tpu.memory_space<vmem>>
      tpu.wait_dma2 semaphore(%run_scoped3A : memref<!tpu.dma_semaphore, #tpu.memory_space<semaphore_mem>>) src(%dma_wait3A_45 : memref<128x80xf32, #tpu.memory_space<vmem>>) dst(%dma_wait3A_42 : memref<128x80xf32, #tpu.memory_space<vmem_shared>>)
      tpu.yield
    }) : () -> ()
    %barrier3A = arith.constant 0 : index
    tpu.barrier barrier_id(%barrier3A)
    %mul3A_15 = arith.constant 10240 : i32
    %mul3A_16 = arith.muli %add3A, %mul3A_15 : i32
    %scan3A_17 = arith.constant 0 : i32
    %scan3A_18 = arith.constant 0 : i32
    %scan3A_19 = arith.constant 40 : i32
    %scan3A_20 = arith.addi %scan3A_18, %scan3A_19 : i32
    %scan3A_21 = arith.constant 1 : i32
    %scan3A_22 = scf.for %scan3A_28 = %scan3A_18 to %scan3A_20 step %scan3A_21 iter_args(%scan3A_29 = %scan3A_17) -> (i32)  : i32 {
      %mul3A_30 = arith.constant 256 : i32
      %mul3A_31 = arith.muli %scan3A_28, %mul3A_30 : i32
      %add3A_32 = arith.addi %mul3A_16, %mul3A_31 : i32
      "tpu.region"() ({
        %run_scoped3A = tpu.sem_alloc : memref<!tpu.dma_semaphore, #tpu.memory_space<semaphore_mem>>
        %dma_start3A_186 = tpu.memref_slice %arg4[%add3A_32] : memref<327680xi32, #tpu.memory_space<hbm>> -> memref<256xi32, #tpu.memory_space<hbm>>
        %dma_start3A_187 = tpu.memref_slice %arg4[%add3A_32] : memref<327680xi32, #tpu.memory_space<hbm>> -> memref<256xi32, #tpu.memory_space<hbm>>
        tpu.enqueue_dma source(%dma_start3A_187 : memref<256xi32, #tpu.memory_space<hbm>>) target(%arg8 : memref<256xi32, #tpu.memory_space<vmem>>) target_semaphore(%run_scoped3A : memref<!tpu.dma_semaphore, #tpu.memory_space<semaphore_mem>>)
        %dma_wait3A_188 = tpu.memref_slice %arg4[%add3A_32] : memref<327680xi32, #tpu.memory_space<hbm>> -> memref<256xi32, #tpu.memory_space<hbm>>
        %dma_wait3A_189 = tpu.memref_slice %arg4[%add3A_32] : memref<327680xi32, #tpu.memory_space<hbm>> -> memref<256xi32, #tpu.memory_space<hbm>>
        tpu.wait_dma2 semaphore(%run_scoped3A : memref<!tpu.dma_semaphore, #tpu.memory_space<semaphore_mem>>) src(%dma_wait3A_189 : memref<256xi32, #tpu.memory_space<hbm>>) dst(%arg8 : memref<256xi32, #tpu.memory_space<vmem>>)
        tpu.yield
      }) : () -> ()
      %add3A_33 = arith.constant 0 : i32
      %add3A_34 = arith.addi %add3A_32, %add3A_33 : i32
      "tpu.region"() ({
        %run_scoped3A = tpu.sem_alloc : memref<!tpu.dma_semaphore, #tpu.memory_space<semaphore_mem>>
        %dma_start3A_186 = tpu.memref_slice %arg5[%add3A_34] : memref<327680xi32, #tpu.memory_space<hbm>> -> memref<128xi32, #tpu.memory_space<hbm>>
        %dma_start3A_187 = tpu.memref_slice %arg5[%add3A_34] : memref<327680xi32, #tpu.memory_space<hbm>> -> memref<128xi32, #tpu.memory_space<hbm>>
        tpu.enqueue_dma source(%dma_start3A_187 : memref<128xi32, #tpu.memory_space<hbm>>) target(%arg9 : memref<128xi32, #tpu.memory_space<vmem>>) target_semaphore(%run_scoped3A : memref<!tpu.dma_semaphore, #tpu.memory_space<semaphore_mem>>)
        %dma_wait3A_188 = tpu.memref_slice %arg5[%add3A_34] : memref<327680xi32, #tpu.memory_space<hbm>> -> memref<128xi32, #tpu.memory_space<hbm>>
        %dma_wait3A_189 = tpu.memref_slice %arg5[%add3A_34] : memref<327680xi32, #tpu.memory_space<hbm>> -> memref<128xi32, #tpu.memory_space<hbm>>
        tpu.wait_dma2 semaphore(%run_scoped3A : memref<!tpu.dma_semaphore, #tpu.memory_space<semaphore_mem>>) src(%dma_wait3A_189 : memref<128xi32, #tpu.memory_space<hbm>>) dst(%arg9 : memref<128xi32, #tpu.memory_space<vmem>>)
        tpu.yield
      }) : () -> ()
      %add3A_35 = arith.constant 128 : i32
      %add3A_36 = arith.addi %add3A_32, %add3A_35 : i32
      "tpu.region"() ({
        %run_scoped3A = tpu.sem_alloc : memref<!tpu.dma_semaphore, #tpu.memory_space<semaphore_mem>>
        %dma_start3A_186 = tpu.memref_slice %arg5[%add3A_36] : memref<327680xi32, #tpu.memory_space<hbm>> -> memref<128xi32, #tpu.memory_space<hbm>>
        %dma_start3A_187 = tpu.memref_slice %arg5[%add3A_36] : memref<327680xi32, #tpu.memory_space<hbm>> -> memref<128xi32, #tpu.memory_space<hbm>>
        tpu.enqueue_dma source(%dma_start3A_187 : memref<128xi32, #tpu.memory_space<hbm>>) target(%arg10 : memref<128xi32, #tpu.memory_space<vmem>>) target_semaphore(%run_scoped3A : memref<!tpu.dma_semaphore, #tpu.memory_space<semaphore_mem>>)
        %dma_wait3A_188 = tpu.memref_slice %arg5[%add3A_36] : memref<327680xi32, #tpu.memory_space<hbm>> -> memref<128xi32, #tpu.memory_space<hbm>>
        %dma_wait3A_189 = tpu.memref_slice %arg5[%add3A_36] : memref<327680xi32, #tpu.memory_space<hbm>> -> memref<128xi32, #tpu.memory_space<hbm>>
        tpu.wait_dma2 semaphore(%run_scoped3A : memref<!tpu.dma_semaphore, #tpu.memory_space<semaphore_mem>>) src(%dma_wait3A_189 : memref<128xi32, #tpu.memory_space<hbm>>) dst(%arg10 : memref<128xi32, #tpu.memory_space<vmem>>)
        tpu.yield
      }) : () -> ()
      %get3A = arith.constant 0 : index
      %get3A_37 = tpu.vector_load %arg14[%get3A] {strides = array<i32>} : memref<16xi32, #tpu.memory_space<vmem>>, vector<16xi32>,
      %get3A_38 = vector.shape_cast %get3A_37 : vector<16xi32> to vector<16xi32>
      %add3A_39 = vector.broadcast %add3A_32 : i32 to vector<16xi32>
      %add3A_40 = arith.addi %get3A_38, %add3A_39 : vector<16xi32>
      %iota3A = tpu.iota {dimensions = array<i32: 0>} : vector<16xi32>
      %add3A_41 = arith.constant 0 : i32
      %add3A_42 = vector.broadcast %add3A_41 : i32 to vector<16xi32>
      %add3A_43 = arith.addi %iota3A, %add3A_42 : vector<16xi32>
      %add3A_44 = arith.addi %add3A_40, %add3A_43 : vector<16xi32>
      %swap3A = arith.constant 0 : index
      %swap3A_45 = tpu.vector_load %arg15[%swap3A] {strides = array<i32>} : memref<256xi32, #tpu.memory_space<vmem>>, vector<16xi32>,
      %swap3A_46 = vector.shape_cast %swap3A_45 : vector<16xi32> to vector<16xi32>
      %swap3A_47 = vector.shape_cast %add3A_44 : vector<16xi32> to vector<16xi32>
      tpu.vector_store %arg15[%swap3A], %swap3A_47 {strides = array<i32>} : memref<256xi32, #tpu.memory_space<vmem>>, vector<16xi32>,
      %add3A_48 = arith.constant 16 : i32
      %add3A_49 = vector.broadcast %add3A_48 : i32 to vector<16xi32>
      %add3A_50 = arith.addi %iota3A, %add3A_49 : vector<16xi32>
      %add3A_51 = arith.addi %add3A_40, %add3A_50 : vector<16xi32>
      %swap3A_52 = arith.constant 16 : index
      %swap3A_53 = tpu.vector_load %arg15[%swap3A_52] {strides = array<i32>} : memref<256xi32, #tpu.memory_space<vmem>>, vector<16xi32>,
      %swap3A_54 = vector.shape_cast %swap3A_53 : vector<16xi32> to vector<16xi32>
      %swap3A_55 = vector.shape_cast %add3A_51 : vector<16xi32> to vector<16xi32>
      tpu.vector_store %arg15[%swap3A_52], %swap3A_55 {strides = array<i32>} : memref<256xi32, #tpu.memory_space<vmem>>, vector<16xi32>,
      %add3A_56 = arith.constant 32 : i32
      %add3A_57 = vector.broadcast %add3A_56 : i32 to vector<16xi32>
      %add3A_58 = arith.addi %iota3A, %add3A_57 : vector<16xi32>
      %add3A_59 = arith.addi %add3A_40, %add3A_58 : vector<16xi32>
      %swap3A_60 = arith.constant 32 : index
      %swap3A_61 = tpu.vector_load %arg15[%swap3A_60] {strides = array<i32>} : memref<256xi32, #tpu.memory_space<vmem>>, vector<16xi32>,
      %swap3A_62 = vector.shape_cast %swap3A_61 : vector<16xi32> to vector<16xi32>
      %swap3A_63 = vector.shape_cast %add3A_59 : vector<16xi32> to vector<16xi32>
      tpu.vector_store %arg15[%swap3A_60], %swap3A_63 {strides = array<i32>} : memref<256xi32, #tpu.memory_space<vmem>>, vector<16xi32>,
      %add3A_64 = arith.constant 48 : i32
      %add3A_65 = vector.broadcast %add3A_64 : i32 to vector<16xi32>
      %add3A_66 = arith.addi %iota3A, %add3A_65 : vector<16xi32>
      %add3A_67 = arith.addi %add3A_40, %add3A_66 : vector<16xi32>
      %swap3A_68 = arith.constant 48 : index
      %swap3A_69 = tpu.vector_load %arg15[%swap3A_68] {strides = array<i32>} : memref<256xi32, #tpu.memory_space<vmem>>, vector<16xi32>,
      %swap3A_70 = vector.shape_cast %swap3A_69 : vector<16xi32> to vector<16xi32>
      %swap3A_71 = vector.shape_cast %add3A_67 : vector<16xi32> to vector<16xi32>
      tpu.vector_store %arg15[%swap3A_68], %swap3A_71 {strides = array<i32>} : memref<256xi32, #tpu.memory_space<vmem>>, vector<16xi32>,
      %add3A_72 = arith.constant 64 : i32
      %add3A_73 = vector.broadcast %add3A_72 : i32 to vector<16xi32>
      %add3A_74 = arith.addi %iota3A, %add3A_73 : vector<16xi32>
      %add3A_75 = arith.addi %add3A_40, %add3A_74 : vector<16xi32>
      %swap3A_76 = arith.constant 64 : index
      %swap3A_77 = tpu.vector_load %arg15[%swap3A_76] {strides = array<i32>} : memref<256xi32, #tpu.memory_space<vmem>>, vector<16xi32>,
      %swap3A_78 = vector.shape_cast %swap3A_77 : vector<16xi32> to vector<16xi32>
      %swap3A_79 = vector.shape_cast %add3A_75 : vector<16xi32> to vector<16xi32>
      tpu.vector_store %arg15[%swap3A_76], %swap3A_79 {strides = array<i32>} : memref<256xi32, #tpu.memory_space<vmem>>, vector<16xi32>,
      %add3A_80 = arith.constant 80 : i32
      %add3A_81 = vector.broadcast %add3A_80 : i32 to vector<16xi32>
      %add3A_82 = arith.addi %iota3A, %add3A_81 : vector<16xi32>
      %add3A_83 = arith.addi %add3A_40, %add3A_82 : vector<16xi32>
      %swap3A_84 = arith.constant 80 : index
      %swap3A_85 = tpu.vector_load %arg15[%swap3A_84] {strides = array<i32>} : memref<256xi32, #tpu.memory_space<vmem>>, vector<16xi32>,
      %swap3A_86 = vector.shape_cast %swap3A_85 : vector<16xi32> to vector<16xi32>
      %swap3A_87 = vector.shape_cast %add3A_83 : vector<16xi32> to vector<16xi32>
      tpu.vector_store %arg15[%swap3A_84], %swap3A_87 {strides = array<i32>} : memref<256xi32, #tpu.memory_space<vmem>>, vector<16xi32>,
      %add3A_88 = arith.constant 96 : i32
      %add3A_89 = vector.broadcast %add3A_88 : i32 to vector<16xi32>
      %add3A_90 = arith.addi %iota3A, %add3A_89 : vector<16xi32>
      %add3A_91 = arith.addi %add3A_40, %add3A_90 : vector<16xi32>
      %swap3A_92 = arith.constant 96 : index
      %swap3A_93 = tpu.vector_load %arg15[%swap3A_92] {strides = array<i32>} : memref<256xi32, #tpu.memory_space<vmem>>, vector<16xi32>,
      %swap3A_94 = vector.shape_cast %swap3A_93 : vector<16xi32> to vector<16xi32>
      %swap3A_95 = vector.shape_cast %add3A_91 : vector<16xi32> to vector<16xi32>
      tpu.vector_store %arg15[%swap3A_92], %swap3A_95 {strides = array<i32>} : memref<256xi32, #tpu.memory_space<vmem>>, vector<16xi32>,
      %add3A_96 = arith.constant 112 : i32
      %add3A_97 = vector.broadcast %add3A_96 : i32 to vector<16xi32>
      %add3A_98 = arith.addi %iota3A, %add3A_97 : vector<16xi32>
      %add3A_99 = arith.addi %add3A_40, %add3A_98 : vector<16xi32>
      %swap3A_100 = arith.constant 112 : index
      %swap3A_101 = tpu.vector_load %arg15[%swap3A_100] {strides = array<i32>} : memref<256xi32, #tpu.memory_space<vmem>>, vector<16xi32>,
      %swap3A_102 = vector.shape_cast %swap3A_101 : vector<16xi32> to vector<16xi32>
      %swap3A_103 = vector.shape_cast %add3A_99 : vector<16xi32> to vector<16xi32>
      tpu.vector_store %arg15[%swap3A_100], %swap3A_103 {strides = array<i32>} : memref<256xi32, #tpu.memory_space<vmem>>, vector<16xi32>,
      %add3A_104 = arith.constant 128 : i32
      %add3A_105 = vector.broadcast %add3A_104 : i32 to vector<16xi32>
      %add3A_106 = arith.addi %iota3A, %add3A_105 : vector<16xi32>
      %add3A_107 = arith.addi %add3A_40, %add3A_106 : vector<16xi32>
      %swap3A_108 = arith.constant 128 : index
      %swap3A_109 = tpu.vector_load %arg15[%swap3A_108] {strides = array<i32>} : memref<256xi32, #tpu.memory_space<vmem>>, vector<16xi32>,
      %swap3A_110 = vector.shape_cast %swap3A_109 : vector<16xi32> to vector<16xi32>
      %swap3A_111 = vector.shape_cast %add3A_107 : vector<16xi32> to vector<16xi32>
      tpu.vector_store %arg15[%swap3A_108], %swap3A_111 {strides = array<i32>} : memref<256xi32, #tpu.memory_space<vmem>>, vector<16xi32>,
      %add3A_112 = arith.constant 144 : i32
      %add3A_113 = vector.broadcast %add3A_112 : i32 to vector<16xi32>
      %add3A_114 = arith.addi %iota3A, %add3A_113 : vector<16xi32>
      %add3A_115 = arith.addi %add3A_40, %add3A_114 : vector<16xi32>
      %swap3A_116 = arith.constant 144 : index
      %swap3A_117 = tpu.vector_load %arg15[%swap3A_116] {strides = array<i32>} : memref<256xi32, #tpu.memory_space<vmem>>, vector<16xi32>,
      %swap3A_118 = vector.shape_cast %swap3A_117 : vector<16xi32> to vector<16xi32>
      %swap3A_119 = vector.shape_cast %add3A_115 : vector<16xi32> to vector<16xi32>
      tpu.vector_store %arg15[%swap3A_116], %swap3A_119 {strides = array<i32>} : memref<256xi32, #tpu.memory_space<vmem>>, vector<16xi32>,
      %add3A_120 = arith.constant 160 : i32
      %add3A_121 = vector.broadcast %add3A_120 : i32 to vector<16xi32>
      %add3A_122 = arith.addi %iota3A, %add3A_121 : vector<16xi32>
      %add3A_123 = arith.addi %add3A_40, %add3A_122 : vector<16xi32>
      %swap3A_124 = arith.constant 160 : index
      %swap3A_125 = tpu.vector_load %arg15[%swap3A_124] {strides = array<i32>} : memref<256xi32, #tpu.memory_space<vmem>>, vector<16xi32>,
      %swap3A_126 = vector.shape_cast %swap3A_125 : vector<16xi32> to vector<16xi32>
      %swap3A_127 = vector.shape_cast %add3A_123 : vector<16xi32> to vector<16xi32>
      tpu.vector_store %arg15[%swap3A_124], %swap3A_127 {strides = array<i32>} : memref<256xi32, #tpu.memory_space<vmem>>, vector<16xi32>,
      %add3A_128 = arith.constant 176 : i32
      %add3A_129 = vector.broadcast %add3A_128 : i32 to vector<16xi32>
      %add3A_130 = arith.addi %iota3A, %add3A_129 : vector<16xi32>
      %add3A_131 = arith.addi %add3A_40, %add3A_130 : vector<16xi32>
      %swap3A_132 = arith.constant 176 : index
      %swap3A_133 = tpu.vector_load %arg15[%swap3A_132] {strides = array<i32>} : memref<256xi32, #tpu.memory_space<vmem>>, vector<16xi32>,
      %swap3A_134 = vector.shape_cast %swap3A_133 : vector<16xi32> to vector<16xi32>
      %swap3A_135 = vector.shape_cast %add3A_131 : vector<16xi32> to vector<16xi32>
      tpu.vector_store %arg15[%swap3A_132], %swap3A_135 {strides = array<i32>} : memref<256xi32, #tpu.memory_space<vmem>>, vector<16xi32>,
      %add3A_136 = arith.constant 192 : i32
      %add3A_137 = vector.broadcast %add3A_136 : i32 to vector<16xi32>
      %add3A_138 = arith.addi %iota3A, %add3A_137 : vector<16xi32>
      %add3A_139 = arith.addi %add3A_40, %add3A_138 : vector<16xi32>
      %swap3A_140 = arith.constant 192 : index
      %swap3A_141 = tpu.vector_load %arg15[%swap3A_140] {strides = array<i32>} : memref<256xi32, #tpu.memory_space<vmem>>, vector<16xi32>,
      %swap3A_142 = vector.shape_cast %swap3A_141 : vector<16xi32> to vector<16xi32>
      %swap3A_143 = vector.shape_cast %add3A_139 : vector<16xi32> to vector<16xi32>
      tpu.vector_store %arg15[%swap3A_140], %swap3A_143 {strides = array<i32>} : memref<256xi32, #tpu.memory_space<vmem>>, vector<16xi32>,
      %add3A_144 = arith.constant 208 : i32
      %add3A_145 = vector.broadcast %add3A_144 : i32 to vector<16xi32>
      %add3A_146 = arith.addi %iota3A, %add3A_145 : vector<16xi32>
      %add3A_147 = arith.addi %add3A_40, %add3A_146 : vector<16xi32>
      %swap3A_148 = arith.constant 208 : index
      %swap3A_149 = tpu.vector_load %arg15[%swap3A_148] {strides = array<i32>} : memref<256xi32, #tpu.memory_space<vmem>>, vector<16xi32>,
      %swap3A_150 = vector.shape_cast %swap3A_149 : vector<16xi32> to vector<16xi32>
      %swap3A_151 = vector.shape_cast %add3A_147 : vector<16xi32> to vector<16xi32>
      tpu.vector_store %arg15[%swap3A_148], %swap3A_151 {strides = array<i32>} : memref<256xi32, #tpu.memory_space<vmem>>, vector<16xi32>,
      %add3A_152 = arith.constant 224 : i32
      %add3A_153 = vector.broadcast %add3A_152 : i32 to vector<16xi32>
      %add3A_154 = arith.addi %iota3A, %add3A_153 : vector<16xi32>
      %add3A_155 = arith.addi %add3A_40, %add3A_154 : vector<16xi32>
      %swap3A_156 = arith.constant 224 : index
      %swap3A_157 = tpu.vector_load %arg15[%swap3A_156] {strides = array<i32>} : memref<256xi32, #tpu.memory_space<vmem>>, vector<16xi32>,
      %swap3A_158 = vector.shape_cast %swap3A_157 : vector<16xi32> to vector<16xi32>
      %swap3A_159 = vector.shape_cast %add3A_155 : vector<16xi32> to vector<16xi32>
      tpu.vector_store %arg15[%swap3A_156], %swap3A_159 {strides = array<i32>} : memref<256xi32, #tpu.memory_space<vmem>>, vector<16xi32>,
      %add3A_160 = arith.constant 240 : i32
      %add3A_161 = vector.broadcast %add3A_160 : i32 to vector<16xi32>
      %add3A_162 = arith.addi %iota3A, %add3A_161 : vector<16xi32>
      %add3A_163 = arith.addi %add3A_40, %add3A_162 : vector<16xi32>
      %swap3A_164 = arith.constant 240 : index
      %swap3A_165 = tpu.vector_load %arg15[%swap3A_164] {strides = array<i32>} : memref<256xi32, #tpu.memory_space<vmem>>, vector<16xi32>,
      %swap3A_166 = vector.shape_cast %swap3A_165 : vector<16xi32> to vector<16xi32>
      %swap3A_167 = vector.shape_cast %add3A_163 : vector<16xi32> to vector<16xi32>
      tpu.vector_store %arg15[%swap3A_164], %swap3A_167 {strides = array<i32>} : memref<256xi32, #tpu.memory_space<vmem>>, vector<16xi32>,
      %dma_start3A = arith.constant 0 : i32
      %dma_start3A_168 = arith.constant 0 : i32
      %dma_start3A_169 = tpu.memref_slice %arg2[%dma_start3A, %dma_start3A_168] : memref<10000x80xf32, #tpu.memory_space<hbm>> -> memref<10000x80xf32, #tpu.memory_space<hbm>>
      tpu.enqueue_indirect_dma source(%dma_start3A_169 : memref<10000x80xf32, #tpu.memory_space<hbm>>) target(%arg11 : memref<256x80xf32, #tpu.memory_space<vmem>>) offsets(%arg8 : memref<256xi32, #tpu.memory_space<vmem>>) semaphore(%arg16 : memref<!tpu.dma_semaphore, #tpu.memory_space<semaphore_mem>>)
      %dma_wait3A = arith.constant 0 : i32
      %dma_wait3A_170 = arith.constant 0 : i32
      %dma_wait3A_171 = tpu.memref_slice %arg2[%dma_wait3A, %dma_wait3A_170] : memref<10000x80xf32, #tpu.memory_space<hbm>> -> memref<10000x80xf32, #tpu.memory_space<hbm>>
      tpu.wait_indirect_dma semaphore(%arg16 : memref<!tpu.dma_semaphore, #tpu.memory_space<semaphore_mem>>) src(%dma_wait3A_171 : memref<10000x80xf32, #tpu.memory_space<hbm>>) dst(%arg11 : memref<256x80xf32, #tpu.memory_space<vmem>>)
      %dma_start3A_172 = arith.constant 0 : i32
      %dma_start3A_173 = arith.constant 0 : i32
      %dma_start3A_174 = tpu.memref_slice %arg3[%dma_start3A_172, %dma_start3A_173] : memref<1310720x80xf32, #tpu.memory_space<hbm>> -> memref<1310720x80xf32, #tpu.memory_space<hbm>>
      tpu.enqueue_indirect_dma source(%dma_start3A_174 : memref<1310720x80xf32, #tpu.memory_space<hbm>>) target(%arg12 : memref<256x80xf32, #tpu.memory_space<vmem>>) offsets(%arg15 : memref<256xi32, #tpu.memory_space<vmem>>) semaphore(%arg16 : memref<!tpu.dma_semaphore, #tpu.memory_space<semaphore_mem>>)
      %dma_wait3A_175 = arith.constant 0 : i32
      %dma_wait3A_176 = arith.constant 0 : i32
      %dma_wait3A_177 = tpu.memref_slice %arg3[%dma_wait3A_175, %dma_wait3A_176] : memref<1310720x80xf32, #tpu.memory_space<hbm>> -> memref<1310720x80xf32, #tpu.memory_space<hbm>>
      tpu.wait_indirect_dma semaphore(%arg16 : memref<!tpu.dma_semaphore, #tpu.memory_space<semaphore_mem>>) src(%dma_wait3A_177 : memref<1310720x80xf32, #tpu.memory_space<hbm>>) dst(%arg12 : memref<256x80xf32, #tpu.memory_space<vmem>>)
      %scan3A_178 = arith.constant 0 : i32
      %scan3A_179 = arith.constant 0 : i32
      %scan3A_180 = arith.constant 256 : i32
      %scan3A_181 = arith.addi %scan3A_179, %scan3A_180 : i32
      %scan3A_182 = arith.constant 1 : i32
      %scan3A_183 = scf.for %scan3A_186 = %scan3A_179 to %scan3A_181 step %scan3A_182 iter_args(%scan3A_187 = %scan3A_178) -> (i32)  : i32 {
        %get3A_188 = arith.index_cast %scan3A_186 : i32 to index
        %get3A_189 = arith.constant 0 : index
        %get3A_190 = tpu.vector_load %arg11[%get3A_188, %get3A_189] {strides = array<i32>} : memref<256x80xf32, #tpu.memory_space<vmem>>, vector<1x16xf32>,
        %get3A_191 = vector.shape_cast %get3A_190 : vector<1x16xf32> to vector<16xf32>
        %get3A_192 = arith.index_cast %scan3A_186 : i32 to index
        %get3A_193 = arith.constant 0 : index
        %get3A_194 = tpu.vector_load %arg12[%get3A_192, %get3A_193] {strides = array<i32>} : memref<256x80xf32, #tpu.memory_space<vmem>>, vector<1x16xf32>,
        %get3A_195 = vector.shape_cast %get3A_194 : vector<1x16xf32> to vector<16xf32>
        %mul3A_196 = arith.mulf %get3A_191, %get3A_195 : vector<16xf32>
        %swap3A_197 = arith.index_cast %scan3A_186 : i32 to index
        %swap3A_198 = arith.constant 0 : index
        %swap3A_199 = tpu.vector_load %arg11[%swap3A_197, %swap3A_198] {strides = array<i32>} : memref<256x80xf32, #tpu.memory_space<vmem>>, vector<1x16xf32>,
        %swap3A_200 = vector.shape_cast %swap3A_199 : vector<1x16xf32> to vector<16xf32>
        %swap3A_201 = vector.shape_cast %mul3A_196 : vector<16xf32> to vector<1x16xf32>
        tpu.vector_store %arg11[%swap3A_197, %swap3A_198], %swap3A_201 {strides = array<i32>} : memref<256x80xf32, #tpu.memory_space<vmem>>, vector<1x16xf32>,
        %get3A_202 = arith.index_cast %scan3A_186 : i32 to index
        %get3A_203 = arith.constant 16 : index
        %get3A_204 = tpu.vector_load %arg11[%get3A_202, %get3A_203] {strides = array<i32>} : memref<256x80xf32, #tpu.memory_space<vmem>>, vector<1x16xf32>,
        %get3A_205 = vector.shape_cast %get3A_204 : vector<1x16xf32> to vector<16xf32>
        %get3A_206 = arith.index_cast %scan3A_186 : i32 to index
        %get3A_207 = arith.constant 16 : index
        %get3A_208 = tpu.vector_load %arg12[%get3A_206, %get3A_207] {strides = array<i32>} : memref<256x80xf32, #tpu.memory_space<vmem>>, vector<1x16xf32>,
        %get3A_209 = vector.shape_cast %get3A_208 : vector<1x16xf32> to vector<16xf32>
        %mul3A_210 = arith.mulf %get3A_205, %get3A_209 : vector<16xf32>
        %swap3A_211 = arith.index_cast %scan3A_186 : i32 to index
        %swap3A_212 = arith.constant 16 : index
        %swap3A_213 = tpu.vector_load %arg11[%swap3A_211, %swap3A_212] {strides = array<i32>} : memref<256x80xf32, #tpu.memory_space<vmem>>, vector<1x16xf32>,
        %swap3A_214 = vector.shape_cast %swap3A_213 : vector<1x16xf32> to vector<16xf32>
        %swap3A_215 = vector.shape_cast %mul3A_210 : vector<16xf32> to vector<1x16xf32>
        tpu.vector_store %arg11[%swap3A_211, %swap3A_212], %swap3A_215 {strides = array<i32>} : memref<256x80xf32, #tpu.memory_space<vmem>>, vector<1x16xf32>,
        %get3A_216 = arith.index_cast %scan3A_186 : i32 to index
        %get3A_217 = arith.constant 32 : index
        %get3A_218 = tpu.vector_load %arg11[%get3A_216, %get3A_217] {strides = array<i32>} : memref<256x80xf32, #tpu.memory_space<vmem>>, vector<1x16xf32>,
        %get3A_219 = vector.shape_cast %get3A_218 : vector<1x16xf32> to vector<16xf32>
        %get3A_220 = arith.index_cast %scan3A_186 : i32 to index
        %get3A_221 = arith.constant 32 : index
        %get3A_222 = tpu.vector_load %arg12[%get3A_220, %get3A_221] {strides = array<i32>} : memref<256x80xf32, #tpu.memory_space<vmem>>, vector<1x16xf32>,
        %get3A_223 = vector.shape_cast %get3A_222 : vector<1x16xf32> to vector<16xf32>
        %mul3A_224 = arith.mulf %get3A_219, %get3A_223 : vector<16xf32>
        %swap3A_225 = arith.index_cast %scan3A_186 : i32 to index
        %swap3A_226 = arith.constant 32 : index
        %swap3A_227 = tpu.vector_load %arg11[%swap3A_225, %swap3A_226] {strides = array<i32>} : memref<256x80xf32, #tpu.memory_space<vmem>>, vector<1x16xf32>,
        %swap3A_228 = vector.shape_cast %swap3A_227 : vector<1x16xf32> to vector<16xf32>
        %swap3A_229 = vector.shape_cast %mul3A_224 : vector<16xf32> to vector<1x16xf32>
        tpu.vector_store %arg11[%swap3A_225, %swap3A_226], %swap3A_229 {strides = array<i32>} : memref<256x80xf32, #tpu.memory_space<vmem>>, vector<1x16xf32>,
        %get3A_230 = arith.index_cast %scan3A_186 : i32 to index
        %get3A_231 = arith.constant 48 : index
        %get3A_232 = tpu.vector_load %arg11[%get3A_230, %get3A_231] {strides = array<i32>} : memref<256x80xf32, #tpu.memory_space<vmem>>, vector<1x16xf32>,
        %get3A_233 = vector.shape_cast %get3A_232 : vector<1x16xf32> to vector<16xf32>
        %get3A_234 = arith.index_cast %scan3A_186 : i32 to index
        %get3A_235 = arith.constant 48 : index
        %get3A_236 = tpu.vector_load %arg12[%get3A_234, %get3A_235] {strides = array<i32>} : memref<256x80xf32, #tpu.memory_space<vmem>>, vector<1x16xf32>,
        %get3A_237 = vector.shape_cast %get3A_236 : vector<1x16xf32> to vector<16xf32>
        %mul3A_238 = arith.mulf %get3A_233, %get3A_237 : vector<16xf32>
        %swap3A_239 = arith.index_cast %scan3A_186 : i32 to index
        %swap3A_240 = arith.constant 48 : index
        %swap3A_241 = tpu.vector_load %arg11[%swap3A_239, %swap3A_240] {strides = array<i32>} : memref<256x80xf32, #tpu.memory_space<vmem>>, vector<1x16xf32>,
        %swap3A_242 = vector.shape_cast %swap3A_241 : vector<1x16xf32> to vector<16xf32>
        %swap3A_243 = vector.shape_cast %mul3A_238 : vector<16xf32> to vector<1x16xf32>
        tpu.vector_store %arg11[%swap3A_239, %swap3A_240], %swap3A_243 {strides = array<i32>} : memref<256x80xf32, #tpu.memory_space<vmem>>, vector<1x16xf32>,
        %get3A_244 = arith.index_cast %scan3A_186 : i32 to index
        %get3A_245 = arith.constant 64 : index
        %get3A_246 = tpu.vector_load %arg11[%get3A_244, %get3A_245] {strides = array<i32>} : memref<256x80xf32, #tpu.memory_space<vmem>>, vector<1x16xf32>,
        %get3A_247 = vector.shape_cast %get3A_246 : vector<1x16xf32> to vector<16xf32>
        %get3A_248 = arith.index_cast %scan3A_186 : i32 to index
        %get3A_249 = arith.constant 64 : index
        %get3A_250 = tpu.vector_load %arg12[%get3A_248, %get3A_249] {strides = array<i32>} : memref<256x80xf32, #tpu.memory_space<vmem>>, vector<1x16xf32>,
        %get3A_251 = vector.shape_cast %get3A_250 : vector<1x16xf32> to vector<16xf32>
        %mul3A_252 = arith.mulf %get3A_247, %get3A_251 : vector<16xf32>
        %swap3A_253 = arith.index_cast %scan3A_186 : i32 to index
        %swap3A_254 = arith.constant 64 : index
        %swap3A_255 = tpu.vector_load %arg11[%swap3A_253, %swap3A_254] {strides = array<i32>} : memref<256x80xf32, #tpu.memory_space<vmem>>, vector<1x16xf32>,
        %swap3A_256 = vector.shape_cast %swap3A_255 : vector<1x16xf32> to vector<16xf32>
        %swap3A_257 = vector.shape_cast %mul3A_252 : vector<16xf32> to vector<1x16xf32>
        tpu.vector_store %arg11[%swap3A_253, %swap3A_254], %swap3A_257 {strides = array<i32>} : memref<256x80xf32, #tpu.memory_space<vmem>>, vector<1x16xf32>,
        %scan3A_258 = arith.constant 0 : i32
        scf.yield %scan3A_258 : i32
      }
      %scan3A_184 = arith.constant 256 : i32
      "tpu.region"() ({
        %run_scoped3A = tpu.sem_alloc : memref<!tpu.dma_semaphore, #tpu.memory_space<semaphore_mem>>
        %dma_start3A_186 = arith.constant 0 : i32
        %dma_start3A_187 = arith.constant 0 : i32
        %dma_start3A_188 = tpu.memref_slice %arg11[%dma_start3A_186, %dma_start3A_187] : memref<256x80xf32, #tpu.memory_space<vmem>> -> memref<128x80xf32, #tpu.memory_space<vmem>>
        %dma_start3A_189 = arith.constant 0 : i32
        %dma_start3A_190 = arith.constant 0 : i32
        %dma_start3A_191 = tpu.memref_slice %arg13[%dma_start3A_189, %dma_start3A_190] : memref<10240x80xf32, #tpu.memory_space<vmem_shared>> -> memref<10240x80xf32, #tpu.memory_space<vmem_shared>>
        tpu.enqueue_indirect_dma source(%dma_start3A_188 : memref<128x80xf32, #tpu.memory_space<vmem>>) target(%dma_start3A_191 : memref<10240x80xf32, #tpu.memory_space<vmem_shared>>) offsets(%arg9 : memref<128xi32, #tpu.memory_space<vmem>>) semaphore(%run_scoped3A : memref<!tpu.dma_semaphore, #tpu.memory_space<semaphore_mem>>) {add = true}
        %dma_wait3A_192 = arith.constant 0 : i32
        %dma_wait3A_193 = arith.constant 0 : i32
        %dma_wait3A_194 = tpu.memref_slice %arg11[%dma_wait3A_192, %dma_wait3A_193] : memref<256x80xf32, #tpu.memory_space<vmem>> -> memref<128x80xf32, #tpu.memory_space<vmem>>
        %dma_wait3A_195 = arith.constant 0 : i32
        %dma_wait3A_196 = arith.constant 0 : i32
        %dma_wait3A_197 = tpu.memref_slice %arg13[%dma_wait3A_195, %dma_wait3A_196] : memref<10240x80xf32, #tpu.memory_space<vmem_shared>> -> memref<10240x80xf32, #tpu.memory_space<vmem_shared>>
        tpu.wait_indirect_dma semaphore(%run_scoped3A : memref<!tpu.dma_semaphore, #tpu.memory_space<semaphore_mem>>) src(%dma_wait3A_194 : memref<128x80xf32, #tpu.memory_space<vmem>>) dst(%dma_wait3A_197 : memref<10240x80xf32, #tpu.memory_space<vmem_shared>>)
        tpu.yield
      }) : () -> ()
      "tpu.region"() ({
        %run_scoped3A = tpu.sem_alloc : memref<!tpu.dma_semaphore, #tpu.memory_space<semaphore_mem>>
        %dma_start3A_186 = arith.constant 128 : i32
        %dma_start3A_187 = arith.constant 0 : i32
        %dma_start3A_188 = tpu.memref_slice %arg11[%dma_start3A_186, %dma_start3A_187] : memref<256x80xf32, #tpu.memory_space<vmem>> -> memref<128x80xf32, #tpu.memory_space<vmem>>
        %dma_start3A_189 = arith.constant 0 : i32
        %dma_start3A_190 = arith.constant 0 : i32
        %dma_start3A_191 = tpu.memref_slice %arg13[%dma_start3A_189, %dma_start3A_190] : memref<10240x80xf32, #tpu.memory_space<vmem_shared>> -> memref<10240x80xf32, #tpu.memory_space<vmem_shared>>
        tpu.enqueue_indirect_dma source(%dma_start3A_188 : memref<128x80xf32, #tpu.memory_space<vmem>>) target(%dma_start3A_191 : memref<10240x80xf32, #tpu.memory_space<vmem_shared>>) offsets(%arg10 : memref<128xi32, #tpu.memory_space<vmem>>) semaphore(%run_scoped3A : memref<!tpu.dma_semaphore, #tpu.memory_space<semaphore_mem>>) {add = true}
        %dma_wait3A_192 = arith.constant 128 : i32
        %dma_wait3A_193 = arith.constant 0 : i32
        %dma_wait3A_194 = tpu.memref_slice %arg11[%dma_wait3A_192, %dma_wait3A_193] : memref<256x80xf32, #tpu.memory_space<vmem>> -> memref<128x80xf32, #tpu.memory_space<vmem>>
        %dma_wait3A_195 = arith.constant 0 : i32
        %dma_wait3A_196 = arith.constant 0 : i32
        %dma_wait3A_197 = tpu.memref_slice %arg13[%dma_wait3A_195, %dma_wait3A_196] : memref<10240x80xf32, #tpu.memory_space<vmem_shared>> -> memref<10240x80xf32, #tpu.memory_space<vmem_shared>>
        tpu.wait_indirect_dma semaphore(%run_scoped3A : memref<!tpu.dma_semaphore, #tpu.memory_space<semaphore_mem>>) src(%dma_wait3A_194 : memref<128x80xf32, #tpu.memory_space<vmem>>) dst(%dma_wait3A_197 : memref<10240x80xf32, #tpu.memory_space<vmem_shared>>)
        tpu.yield
      }) : () -> ()
      %scan3A_185 = arith.constant 0 : i32
      scf.yield %scan3A_185 : i32
    }
    %scan3A_23 = arith.constant 40 : i32
    %barrier3A_24 = arith.constant 0 : index
    tpu.barrier barrier_id(%barrier3A_24)
    %mul3A_25 = arith.constant 10240 : i32
    %mul3A_26 = arith.muli %arg0, %mul3A_25 : i32
    %add3A_27 = arith.addi %mul3A_26, %mul3A_8 : i32
    "tpu.region"() ({
      %run_scoped3A = tpu.sem_alloc : memref<!tpu.dma_semaphore, #tpu.memory_space<semaphore_mem>>
      %dma_start3A = arith.constant 0 : i32
      %dma_start3A_28 = tpu.memref_slice %arg7[%add3A_27, %dma_start3A] : memref<20480x80xf32, #tpu.memory_space<hbm>> -> memref<640x80xf32, #tpu.memory_space<hbm>>
      %dma_start3A_29 = arith.constant 0 : i32
      %dma_start3A_30 = tpu.memref_slice %arg13[%mul3A_8, %dma_start3A_29] : memref<10240x80xf32, #tpu.memory_space<vmem_shared>> -> memref<640x80xf32, #tpu.memory_space<vmem_shared>>
      tpu.enqueue_dma source(%dma_start3A_30 : memref<640x80xf32, #tpu.memory_space<vmem_shared>>) target(%dma_start3A_28 : memref<640x80xf32, #tpu.memory_space<hbm>>) target_semaphore(%run_scoped3A : memref<!tpu.dma_semaphore, #tpu.memory_space<semaphore_mem>>)
      %dma_wait3A = arith.constant 0 : i32
      %dma_wait3A_31 = tpu.memref_slice %arg7[%add3A_27, %dma_wait3A] : memref<20480x80xf32, #tpu.memory_space<hbm>> -> memref<640x80xf32, #tpu.memory_space<hbm>>
      %dma_wait3A_32 = arith.constant 0 : i32
      %dma_wait3A_33 = tpu.memref_slice %arg13[%mul3A_8, %dma_wait3A_32] : memref<10240x80xf32, #tpu.memory_space<vmem_shared>> -> memref<640x80xf32, #tpu.memory_space<vmem_shared>>
      tpu.wait_dma2 semaphore(%run_scoped3A : memref<!tpu.dma_semaphore, #tpu.memory_space<semaphore_mem>>) src(%dma_wait3A_33 : memref<640x80xf32, #tpu.memory_space<vmem_shared>>) dst(%dma_wait3A_31 : memref<640x80xf32, #tpu.memory_space<hbm>>)
      tpu.yield
    }) : () -> ()
    return
  }
}

module attributes {stable_mosaic.version = 14 : i64} {
  func.func @_node0_body(%arg0: i32, %arg1: memref<2000x1xi32, #tpu.memory_space<vmem>>, %arg2: memref<5x128xf32, #tpu.memory_space<vmem>>, %arg3: memref<128x32xf32, #tpu.memory_space<vmem>>, %arg4: memref<128x8xf32, #tpu.memory_space<vmem>>, %arg5: memref<128x4xf32, #tpu.memory_space<vmem>>, %arg6: memref<5x128x32xf32, #tpu.memory_space<vmem>>, %arg7: memref<44x80xf32, #tpu.memory_space<vmem>>, %arg8: memref<2000x5xf32, #tpu.memory_space<vmem>>, %arg9: memref<2000x80xf32, #tpu.memory_space<vmem>>, %arg10: memref<2000x32xf32, #tpu.memory_space<vmem>>) attributes {dimension_semantics = [#tpu.dimension_semantics<arbitrary>], iteration_bounds = array<i64: 5>, scalar_prefetch = 0 : i64, scratch_operands = 0 : i64, tpu.core_type = #tpu.core_type<tc>, window_params = [{transform_indices = @transform_0, window_bounds = array<i64: 2000, 1>}, {pipeline_mode = #tpu.pipeline_mode<synchronous>, transform_indices = @transform_1, window_bounds = array<i64: 5, 128>}, {pipeline_mode = #tpu.pipeline_mode<synchronous>, transform_indices = @transform_2, window_bounds = array<i64: 128, 32>}, {pipeline_mode = #tpu.pipeline_mode<synchronous>, transform_indices = @transform_3, window_bounds = array<i64: 128, 8>}, {pipeline_mode = #tpu.pipeline_mode<synchronous>, transform_indices = @transform_4, window_bounds = array<i64: 128, 4>}, {pipeline_mode = #tpu.pipeline_mode<synchronous>, transform_indices = @transform_5, window_bounds = array<i64: 5, 128, 32>}, {pipeline_mode = #tpu.pipeline_mode<synchronous>, transform_indices = @transform_6, window_bounds = array<i64: 44, 80>}, {transform_indices = @transform_7, window_bounds = array<i64: 2000, 5>}, {transform_indices = @transform_8, window_bounds = array<i64: 2000, 80>}, {transform_indices = @transform_9, window_bounds = array<i64: 2000, 32>}]} {
    %get3A = arith.constant 0 : index
    %get3A_0 = arith.constant 0 : index
    %get3A_1 = vector.load %arg1[%get3A, %get3A_0] : memref<2000x1xi32, #tpu.memory_space<vmem>>, vector<2000x1xi32>
    %iota3A = tpu.iota {dimensions = array<i32: 1>} : vector<1x5xi32>
    %eq3A = vector.broadcast %get3A_1 : vector<2000x1xi32> to vector<2000x5xi32>
    %eq3A_2 = vector.broadcast %iota3A : vector<1x5xi32> to vector<2000x5xi32>
    %eq3A_3 = arith.cmpi eq, %eq3A, %eq3A_2 : vector<2000x5xi32>
    %convert_element_type3A = arith.extui %eq3A_3 : vector<2000x5xi1> to vector<2000x5xi32>
    %convert_element_type3A_4 = arith.sitofp %convert_element_type3A : vector<2000x5xi32> to vector<2000x5xf32>
    %swap3A = arith.constant 0 : index
    %swap3A_5 = arith.constant 0 : index
    %swap3A_6 = vector.load %arg8[%swap3A, %swap3A_5] : memref<2000x5xf32, #tpu.memory_space<vmem>>, vector<2000x5xf32>
    tpu.vector_store %arg8[%swap3A, %swap3A_5], %convert_element_type3A_4 {strides = array<i32>} : memref<2000x5xf32, #tpu.memory_space<vmem>>, vector<2000x5xf32>,
    %get3A_7 = arith.constant 0 : index
    %get3A_8 = arith.constant 0 : index
    %get3A_9 = vector.load %arg2[%get3A_7, %get3A_8] : memref<5x128xf32, #tpu.memory_space<vmem>>, vector<5x128xf32>
    %dot_general3A = arith.constant dense<0.000000e+00> : vector<2000x128xf32>
    %dot_general3A_10 = tpu.matmul %convert_element_type3A_4, %get3A_9, %dot_general3A {dimension_numbers = #tpu.dot_dimension_numbers<[1], [0], [0], [1], [0, 0, 1, 1], [], []>, transpose_lhs_hint = false} : vector<2000x5xf32>, vector<5x128xf32>, vector<2000x128xf32> -> vector<2000x128xf32>
    %get3A_11 = arith.constant 0 : index
    %get3A_12 = arith.constant 0 : index
    %get3A_13 = vector.load %arg3[%get3A_11, %get3A_12] : memref<128x32xf32, #tpu.memory_space<vmem>>, vector<128x32xf32>
    %dot_general3A_14 = arith.constant dense<0.000000e+00> : vector<2000x32xf32>
    %dot_general3A_15 = tpu.matmul %dot_general3A_10, %get3A_13, %dot_general3A_14 {dimension_numbers = #tpu.dot_dimension_numbers<[1], [0], [0], [1], [0, 0, 1, 1], [], []>, transpose_lhs_hint = false} : vector<2000x128xf32>, vector<128x32xf32>, vector<2000x32xf32> -> vector<2000x32xf32>
    %get3A_16 = arith.constant 0 : index
    %get3A_17 = arith.constant 0 : index
    %get3A_18 = vector.load %arg7[%get3A_16, %get3A_17] : memref<44x80xf32, #tpu.memory_space<vmem>>, vector<32x80xf32>
    %dot_general3A_19 = arith.constant dense<0.000000e+00> : vector<2000x80xf32>
    %dot_general3A_20 = tpu.matmul %dot_general3A_15, %get3A_18, %dot_general3A_19 {dimension_numbers = #tpu.dot_dimension_numbers<[1], [0], [0], [1], [0, 0, 1, 1], [], []>, transpose_lhs_hint = false} : vector<2000x32xf32>, vector<32x80xf32>, vector<2000x80xf32> -> vector<2000x80xf32>
    %get3A_21 = arith.constant 0 : index
    %get3A_22 = arith.constant 0 : index
    %get3A_23 = vector.load %arg4[%get3A_21, %get3A_22] : memref<128x8xf32, #tpu.memory_space<vmem>>, vector<128x8xf32>
    %dot_general3A_24 = arith.constant dense<0.000000e+00> : vector<2000x8xf32>
    %dot_general3A_25 = tpu.matmul %dot_general3A_10, %get3A_23, %dot_general3A_24 {dimension_numbers = #tpu.dot_dimension_numbers<[1], [0], [0], [1], [0, 0, 1, 1], [], []>, transpose_lhs_hint = false} : vector<2000x128xf32>, vector<128x8xf32>, vector<2000x8xf32> -> vector<2000x8xf32>
    %get3A_26 = arith.constant 32 : index
    %get3A_27 = arith.constant 0 : index
    %get3A_28 = vector.load %arg7[%get3A_26, %get3A_27] : memref<44x80xf32, #tpu.memory_space<vmem>>, vector<8x80xf32>
    %dot_general3A_29 = arith.constant dense<0.000000e+00> : vector<2000x80xf32>
    %dot_general3A_30 = tpu.matmul %dot_general3A_25, %get3A_28, %dot_general3A_29 {dimension_numbers = #tpu.dot_dimension_numbers<[1], [0], [0], [1], [0, 0, 1, 1], [], []>, transpose_lhs_hint = false} : vector<2000x8xf32>, vector<8x80xf32>, vector<2000x80xf32> -> vector<2000x80xf32>
    %add3A = arith.addf %dot_general3A_20, %dot_general3A_30 : vector<2000x80xf32>
    %get3A_31 = arith.constant 0 : index
    %get3A_32 = arith.constant 0 : index
    %get3A_33 = vector.load %arg5[%get3A_31, %get3A_32] : memref<128x4xf32, #tpu.memory_space<vmem>>, vector<128x4xf32>
    %dot_general3A_34 = arith.constant dense<0.000000e+00> : vector<2000x4xf32>
    %dot_general3A_35 = tpu.matmul %dot_general3A_10, %get3A_33, %dot_general3A_34 {dimension_numbers = #tpu.dot_dimension_numbers<[1], [0], [0], [1], [0, 0, 1, 1], [], []>, transpose_lhs_hint = false} : vector<2000x128xf32>, vector<128x4xf32>, vector<2000x4xf32> -> vector<2000x4xf32>
    %get3A_36 = arith.constant 40 : index
    %get3A_37 = arith.constant 0 : index
    %get3A_38 = vector.load %arg7[%get3A_36, %get3A_37] : memref<44x80xf32, #tpu.memory_space<vmem>>, vector<4x80xf32>
    %dot_general3A_39 = arith.constant dense<0.000000e+00> : vector<2000x80xf32>
    %dot_general3A_40 = tpu.matmul %dot_general3A_35, %get3A_38, %dot_general3A_39 {dimension_numbers = #tpu.dot_dimension_numbers<[1], [0], [0], [1], [0, 0, 1, 1], [], []>, transpose_lhs_hint = false} : vector<2000x4xf32>, vector<4x80xf32>, vector<2000x80xf32> -> vector<2000x80xf32>
    %add3A_41 = arith.addf %add3A, %dot_general3A_40 : vector<2000x80xf32>
    %swap3A_42 = arith.constant 0 : index
    %swap3A_43 = arith.constant 0 : index
    %swap3A_44 = vector.load %arg9[%swap3A_42, %swap3A_43] : memref<2000x80xf32, #tpu.memory_space<vmem>>, vector<2000x80xf32>
    tpu.vector_store %arg9[%swap3A_42, %swap3A_43], %add3A_41 {strides = array<i32>} : memref<2000x80xf32, #tpu.memory_space<vmem>>, vector<2000x80xf32>,
    %broadcast_in_dim3A = arith.constant 0.000000e+00 : f32
    %broadcast_in_dim3A_45 = vector.broadcast %broadcast_in_dim3A : f32 to vector<2000x32xf32>
    %slice3A = vector.extract_strided_slice %convert_element_type3A_4 {offsets = [0, 0], sizes = [2000, 1], strides = [1, 1]} : vector<2000x5xf32> to vector<2000x1xf32>
    %get3A_46 = arith.constant 0 : index
    %get3A_47 = arith.constant 0 : index
    %get3A_48 = arith.constant 0 : index
    %get3A_49 = vector.load %arg6[%get3A_46, %get3A_47, %get3A_48] : memref<5x128x32xf32, #tpu.memory_space<vmem>>, vector<1x128x32xf32>
    %get3A_50 = vector.shape_cast %get3A_49 : vector<1x128x32xf32> to vector<128x32xf32>
    %dot_general3A_51 = arith.constant dense<0.000000e+00> : vector<2000x32xf32>
    %dot_general3A_52 = tpu.matmul %dot_general3A_10, %get3A_50, %dot_general3A_51 {dimension_numbers = #tpu.dot_dimension_numbers<[1], [0], [0], [1], [0, 0, 1, 1], [], []>, transpose_lhs_hint = false} : vector<2000x128xf32>, vector<128x32xf32>, vector<2000x32xf32> -> vector<2000x32xf32>
    %mul3A = vector.broadcast %slice3A : vector<2000x1xf32> to vector<2000x32xf32>
    %mul3A_53 = arith.mulf %mul3A, %dot_general3A_52 : vector<2000x32xf32>
    %add3A_54 = arith.addf %broadcast_in_dim3A_45, %mul3A_53 : vector<2000x32xf32>
    %slice3A_55 = vector.extract_strided_slice %convert_element_type3A_4 {offsets = [0, 1], sizes = [2000, 1], strides = [1, 1]} : vector<2000x5xf32> to vector<2000x1xf32>
    %get3A_56 = arith.constant 1 : index
    %get3A_57 = arith.constant 0 : index
    %get3A_58 = arith.constant 0 : index
    %get3A_59 = vector.load %arg6[%get3A_56, %get3A_57, %get3A_58] : memref<5x128x32xf32, #tpu.memory_space<vmem>>, vector<1x128x32xf32>
    %get3A_60 = vector.shape_cast %get3A_59 : vector<1x128x32xf32> to vector<128x32xf32>
    %dot_general3A_61 = arith.constant dense<0.000000e+00> : vector<2000x32xf32>
    %dot_general3A_62 = tpu.matmul %dot_general3A_10, %get3A_60, %dot_general3A_61 {dimension_numbers = #tpu.dot_dimension_numbers<[1], [0], [0], [1], [0, 0, 1, 1], [], []>, transpose_lhs_hint = false} : vector<2000x128xf32>, vector<128x32xf32>, vector<2000x32xf32> -> vector<2000x32xf32>
    %mul3A_63 = vector.broadcast %slice3A_55 : vector<2000x1xf32> to vector<2000x32xf32>
    %mul3A_64 = arith.mulf %mul3A_63, %dot_general3A_62 : vector<2000x32xf32>
    %add3A_65 = arith.addf %add3A_54, %mul3A_64 : vector<2000x32xf32>
    %slice3A_66 = vector.extract_strided_slice %convert_element_type3A_4 {offsets = [0, 2], sizes = [2000, 1], strides = [1, 1]} : vector<2000x5xf32> to vector<2000x1xf32>
    %get3A_67 = arith.constant 2 : index
    %get3A_68 = arith.constant 0 : index
    %get3A_69 = arith.constant 0 : index
    %get3A_70 = vector.load %arg6[%get3A_67, %get3A_68, %get3A_69] : memref<5x128x32xf32, #tpu.memory_space<vmem>>, vector<1x128x32xf32>
    %get3A_71 = vector.shape_cast %get3A_70 : vector<1x128x32xf32> to vector<128x32xf32>
    %dot_general3A_72 = arith.constant dense<0.000000e+00> : vector<2000x32xf32>
    %dot_general3A_73 = tpu.matmul %dot_general3A_10, %get3A_71, %dot_general3A_72 {dimension_numbers = #tpu.dot_dimension_numbers<[1], [0], [0], [1], [0, 0, 1, 1], [], []>, transpose_lhs_hint = false} : vector<2000x128xf32>, vector<128x32xf32>, vector<2000x32xf32> -> vector<2000x32xf32>
    %mul3A_74 = vector.broadcast %slice3A_66 : vector<2000x1xf32> to vector<2000x32xf32>
    %mul3A_75 = arith.mulf %mul3A_74, %dot_general3A_73 : vector<2000x32xf32>
    %add3A_76 = arith.addf %add3A_65, %mul3A_75 : vector<2000x32xf32>
    %slice3A_77 = vector.extract_strided_slice %convert_element_type3A_4 {offsets = [0, 3], sizes = [2000, 1], strides = [1, 1]} : vector<2000x5xf32> to vector<2000x1xf32>
    %get3A_78 = arith.constant 3 : index
    %get3A_79 = arith.constant 0 : index
    %get3A_80 = arith.constant 0 : index
    %get3A_81 = vector.load %arg6[%get3A_78, %get3A_79, %get3A_80] : memref<5x128x32xf32, #tpu.memory_space<vmem>>, vector<1x128x32xf32>
    %get3A_82 = vector.shape_cast %get3A_81 : vector<1x128x32xf32> to vector<128x32xf32>
    %dot_general3A_83 = arith.constant dense<0.000000e+00> : vector<2000x32xf32>
    %dot_general3A_84 = tpu.matmul %dot_general3A_10, %get3A_82, %dot_general3A_83 {dimension_numbers = #tpu.dot_dimension_numbers<[1], [0], [0], [1], [0, 0, 1, 1], [], []>, transpose_lhs_hint = false} : vector<2000x128xf32>, vector<128x32xf32>, vector<2000x32xf32> -> vector<2000x32xf32>
    %mul3A_85 = vector.broadcast %slice3A_77 : vector<2000x1xf32> to vector<2000x32xf32>
    %mul3A_86 = arith.mulf %mul3A_85, %dot_general3A_84 : vector<2000x32xf32>
    %add3A_87 = arith.addf %add3A_76, %mul3A_86 : vector<2000x32xf32>
    %slice3A_88 = vector.extract_strided_slice %convert_element_type3A_4 {offsets = [0, 4], sizes = [2000, 1], strides = [1, 1]} : vector<2000x5xf32> to vector<2000x1xf32>
    %get3A_89 = arith.constant 4 : index
    %get3A_90 = arith.constant 0 : index
    %get3A_91 = arith.constant 0 : index
    %get3A_92 = vector.load %arg6[%get3A_89, %get3A_90, %get3A_91] : memref<5x128x32xf32, #tpu.memory_space<vmem>>, vector<1x128x32xf32>
    %get3A_93 = vector.shape_cast %get3A_92 : vector<1x128x32xf32> to vector<128x32xf32>
    %dot_general3A_94 = arith.constant dense<0.000000e+00> : vector<2000x32xf32>
    %dot_general3A_95 = tpu.matmul %dot_general3A_10, %get3A_93, %dot_general3A_94 {dimension_numbers = #tpu.dot_dimension_numbers<[1], [0], [0], [1], [0, 0, 1, 1], [], []>, transpose_lhs_hint = false} : vector<2000x128xf32>, vector<128x32xf32>, vector<2000x32xf32> -> vector<2000x32xf32>
    %mul3A_96 = vector.broadcast %slice3A_88 : vector<2000x1xf32> to vector<2000x32xf32>
    %mul3A_97 = arith.mulf %mul3A_96, %dot_general3A_95 : vector<2000x32xf32>
    %add3A_98 = arith.addf %add3A_87, %mul3A_97 : vector<2000x32xf32>
    %swap3A_99 = arith.constant 0 : index
    %swap3A_100 = arith.constant 0 : index
    %swap3A_101 = vector.load %arg10[%swap3A_99, %swap3A_100] : memref<2000x32xf32, #tpu.memory_space<vmem>>, vector<2000x32xf32>
    tpu.vector_store %arg10[%swap3A_99, %swap3A_100], %add3A_98 {strides = array<i32>} : memref<2000x32xf32, #tpu.memory_space<vmem>>, vector<2000x32xf32>,
    return
  }
  func.func @transform_0(%arg0: i32) -> (i32, i32) {
    %c0_i32 = arith.constant 0 : i32
    %c0_i32_0 = arith.constant 0 : i32
    return %arg0, %c0_i32 : i32, i32
  }
  func.func @transform_1(%arg0: i32) -> (i32, i32) {
    %c0_i32 = arith.constant 0 : i32
    %c0_i32_0 = arith.constant 0 : i32
    %c0_i32_1 = arith.constant 0 : i32
    return %c0_i32, %c0_i32_0 : i32, i32
  }
  func.func @transform_2(%arg0: i32) -> (i32, i32) {
    %c0_i32 = arith.constant 0 : i32
    %c0_i32_0 = arith.constant 0 : i32
    %c0_i32_1 = arith.constant 0 : i32
    return %c0_i32, %c0_i32_0 : i32, i32
  }
  func.func @transform_3(%arg0: i32) -> (i32, i32) {
    %c0_i32 = arith.constant 0 : i32
    %c0_i32_0 = arith.constant 0 : i32
    %c0_i32_1 = arith.constant 0 : i32
    return %c0_i32, %c0_i32_0 : i32, i32
  }
  func.func @transform_4(%arg0: i32) -> (i32, i32) {
    %c0_i32 = arith.constant 0 : i32
    %c0_i32_0 = arith.constant 0 : i32
    %c0_i32_1 = arith.constant 0 : i32
    return %c0_i32, %c0_i32_0 : i32, i32
  }
  func.func @transform_5(%arg0: i32) -> (i32, i32, i32) {
    %c0_i32 = arith.constant 0 : i32
    %c0_i32_0 = arith.constant 0 : i32
    %c0_i32_1 = arith.constant 0 : i32
    %c0_i32_2 = arith.constant 0 : i32
    return %c0_i32, %c0_i32_0, %c0_i32_1 : i32, i32, i32
  }
  func.func @transform_6(%arg0: i32) -> (i32, i32) {
    %c0_i32 = arith.constant 0 : i32
    %c0_i32_0 = arith.constant 0 : i32
    %c0_i32_1 = arith.constant 0 : i32
    return %c0_i32, %c0_i32_0 : i32, i32
  }
  func.func @transform_7(%arg0: i32) -> (i32, i32) {
    %c0_i32 = arith.constant 0 : i32
    %c0_i32_0 = arith.constant 0 : i32
    return %arg0, %c0_i32 : i32, i32
  }
  func.func @transform_8(%arg0: i32) -> (i32, i32) {
    %c0_i32 = arith.constant 0 : i32
    %c0_i32_0 = arith.constant 0 : i32
    return %arg0, %c0_i32 : i32, i32
  }
  func.func @transform_9(%arg0: i32) -> (i32, i32) {
    %c0_i32 = arith.constant 0 : i32
    %c0_i32_0 = arith.constant 0 : i32
    return %arg0, %c0_i32 : i32, i32
  }
}

module attributes {stable_mosaic.version = 14 : i64} {
  func.func @_edge_w_body(%arg0: i32, %arg1: memref<3x2560xf32, #tpu.memory_space<vmem>>, %arg2: memref<4x64x8xf32, #tpu.memory_space<vmem>>, %arg3: memref<4x44x64xf32, #tpu.memory_space<vmem>>, %arg4: memref<80x44xf32, #tpu.memory_space<vmem>>, %arg5: memref<80x16xf32, #tpu.memory_space<vmem>>, %arg6: memref<4x2560x80xf32, #tpu.memory_space<vmem>>, %arg7: memref<16x2560xf32, #tpu.memory_space<vmem>>) attributes {dimension_semantics = [#tpu.dimension_semantics<arbitrary>], iteration_bounds = array<i64: 128>, scalar_prefetch = 0 : i64, scratch_operands = 1 : i64, tpu.core_type = #tpu.core_type<tc>, window_params = [{transform_indices = @transform_0, window_bounds = array<i64: 3, 2560>}, {pipeline_mode = #tpu.pipeline_mode<synchronous>, transform_indices = @transform_1, window_bounds = array<i64: 4, 64, 8>}, {pipeline_mode = #tpu.pipeline_mode<synchronous>, transform_indices = @transform_2, window_bounds = array<i64: 4, 44, 64>}, {pipeline_mode = #tpu.pipeline_mode<synchronous>, transform_indices = @transform_3, window_bounds = array<i64: 80, 44>}, {pipeline_mode = #tpu.pipeline_mode<synchronous>, transform_indices = @transform_4, window_bounds = array<i64: 80, 16>}, {transform_indices = @transform_5, window_bounds = array<i64: 4, 2560, 80>}]} {
    %get3A = arith.constant 0 : index
    %get3A_0 = arith.constant 0 : index
    %get3A_1 = vector.load %arg1[%get3A, %get3A_0] : memref<3x2560xf32, #tpu.memory_space<vmem>>, vector<3x2560xf32>
    %mul3A = arith.constant 2.000000e-01 : f32
    %mul3A_2 = vector.broadcast %mul3A : f32 to vector<3x2560xf32>
    %mul3A_3 = arith.mulf %get3A_1, %mul3A_2 : vector<3x2560xf32>
    %slice3A = vector.extract_strided_slice %mul3A_3 {offsets = [0, 0], sizes = [1, 2560], strides = [1, 1]} : vector<3x2560xf32> to vector<1x2560xf32>
    %slice3A_4 = vector.extract_strided_slice %mul3A_3 {offsets = [1, 0], sizes = [1, 2560], strides = [1, 1]} : vector<3x2560xf32> to vector<1x2560xf32>
    %slice3A_5 = vector.extract_strided_slice %mul3A_3 {offsets = [2, 0], sizes = [1, 2560], strides = [1, 1]} : vector<3x2560xf32> to vector<1x2560xf32>
    %mul3A_6 = arith.mulf %slice3A, %slice3A : vector<1x2560xf32>
    %mul3A_7 = arith.mulf %slice3A_4, %slice3A_4 : vector<1x2560xf32>
    %add3A = arith.addf %mul3A_6, %mul3A_7 : vector<1x2560xf32>
    %mul3A_8 = arith.mulf %slice3A_5, %slice3A_5 : vector<1x2560xf32>
    %add3A_9 = arith.addf %add3A, %mul3A_8 : vector<1x2560xf32>
    %sqrt3A = math.sqrt %add3A_9 : vector<1x2560xf32>
    %eq3A = arith.constant 0.000000e+00 : f32
    %eq3A_10 = vector.broadcast %eq3A : f32 to vector<1x2560xf32>
    %eq3A_11 = arith.cmpf oeq, %sqrt3A, %eq3A_10 : vector<1x2560xf32>
    %jit3A = arith.constant 1.000000e+00 : f32
    %broadcast_in_dim3A = vector.broadcast %jit3A : f32 to vector<1x2560xf32>
    %select_n3A = arith.select %eq3A_11, %broadcast_in_dim3A, %sqrt3A : vector<1x2560xi1>, vector<1x2560xf32>
    %div3A = arith.constant 1.000000e+00 : f32
    %div3A_12 = vector.broadcast %div3A : f32 to vector<1x2560xf32>
    %div3A_13 = arith.divf %div3A_12, %select_n3A : vector<1x2560xf32>
    %mul3A_14 = arith.mulf %slice3A, %div3A_13 : vector<1x2560xf32>
    %mul3A_15 = arith.mulf %slice3A_4, %div3A_13 : vector<1x2560xf32>
    %mul3A_16 = arith.mulf %slice3A_5, %div3A_13 : vector<1x2560xf32>
    %broadcast_in_dim3A_17 = arith.constant 1.000000e+00 : f32
    %broadcast_in_dim3A_18 = vector.broadcast %broadcast_in_dim3A_17 : f32 to vector<1x2560xf32>
    %swap3A = arith.constant 0 : index
    %swap3A_19 = arith.constant 0 : index
    %swap3A_20 = vector.load %arg7[%swap3A, %swap3A_19] : memref<16x2560xf32, #tpu.memory_space<vmem>>, vector<1x2560xf32>
    tpu.vector_store %arg7[%swap3A, %swap3A_19], %broadcast_in_dim3A_18 {strides = array<i32>} : memref<16x2560xf32, #tpu.memory_space<vmem>>, vector<1x2560xf32>,
    %mul3A_21 = arith.constant 1.73205078 : f32
    %mul3A_22 = vector.broadcast %mul3A_21 : f32 to vector<1x2560xf32>
    %mul3A_23 = arith.mulf %mul3A_22, %mul3A_14 : vector<1x2560xf32>
    %swap3A_24 = arith.constant 1 : index
    %swap3A_25 = arith.constant 0 : index
    %swap3A_26 = vector.load %arg7[%swap3A_24, %swap3A_25] : memref<16x2560xf32, #tpu.memory_space<vmem>>, vector<1x2560xf32>
    tpu.vector_store %arg7[%swap3A_24, %swap3A_25], %mul3A_23 {strides = array<i32>} : memref<16x2560xf32, #tpu.memory_space<vmem>>, vector<1x2560xf32>,
    %mul3A_27 = arith.constant 1.73205078 : f32
    %mul3A_28 = vector.broadcast %mul3A_27 : f32 to vector<1x2560xf32>
    %mul3A_29 = arith.mulf %mul3A_28, %mul3A_15 : vector<1x2560xf32>
    %swap3A_30 = arith.constant 2 : index
    %swap3A_31 = arith.constant 0 : index
    %swap3A_32 = vector.load %arg7[%swap3A_30, %swap3A_31] : memref<16x2560xf32, #tpu.memory_space<vmem>>, vector<1x2560xf32>
    tpu.vector_store %arg7[%swap3A_30, %swap3A_31], %mul3A_29 {strides = array<i32>} : memref<16x2560xf32, #tpu.memory_space<vmem>>, vector<1x2560xf32>,
    %mul3A_33 = arith.constant 1.73205078 : f32
    %mul3A_34 = vector.broadcast %mul3A_33 : f32 to vector<1x2560xf32>
    %mul3A_35 = arith.mulf %mul3A_34, %mul3A_16 : vector<1x2560xf32>
    %swap3A_36 = arith.constant 3 : index
    %swap3A_37 = arith.constant 0 : index
    %swap3A_38 = vector.load %arg7[%swap3A_36, %swap3A_37] : memref<16x2560xf32, #tpu.memory_space<vmem>>, vector<1x2560xf32>
    tpu.vector_store %arg7[%swap3A_36, %swap3A_37], %mul3A_35 {strides = array<i32>} : memref<16x2560xf32, #tpu.memory_space<vmem>>, vector<1x2560xf32>,
    %mul3A_39 = arith.constant 3.87298346 : f32
    %mul3A_40 = vector.broadcast %mul3A_39 : f32 to vector<1x2560xf32>
    %mul3A_41 = arith.mulf %mul3A_40, %mul3A_14 : vector<1x2560xf32>
    %mul3A_42 = arith.mulf %mul3A_41, %mul3A_15 : vector<1x2560xf32>
    %swap3A_43 = arith.constant 4 : index
    %swap3A_44 = arith.constant 0 : index
    %swap3A_45 = vector.load %arg7[%swap3A_43, %swap3A_44] : memref<16x2560xf32, #tpu.memory_space<vmem>>, vector<1x2560xf32>
    tpu.vector_store %arg7[%swap3A_43, %swap3A_44], %mul3A_42 {strides = array<i32>} : memref<16x2560xf32, #tpu.memory_space<vmem>>, vector<1x2560xf32>,
    %mul3A_46 = arith.constant 3.87298346 : f32
    %mul3A_47 = vector.broadcast %mul3A_46 : f32 to vector<1x2560xf32>
    %mul3A_48 = arith.mulf %mul3A_47, %mul3A_15 : vector<1x2560xf32>
    %mul3A_49 = arith.mulf %mul3A_48, %mul3A_16 : vector<1x2560xf32>
    %swap3A_50 = arith.constant 5 : index
    %swap3A_51 = arith.constant 0 : index
    %swap3A_52 = vector.load %arg7[%swap3A_50, %swap3A_51] : memref<16x2560xf32, #tpu.memory_space<vmem>>, vector<1x2560xf32>
    tpu.vector_store %arg7[%swap3A_50, %swap3A_51], %mul3A_49 {strides = array<i32>} : memref<16x2560xf32, #tpu.memory_space<vmem>>, vector<1x2560xf32>,
    %mul3A_53 = arith.constant 3.000000e+00 : f32
    %mul3A_54 = vector.broadcast %mul3A_53 : f32 to vector<1x2560xf32>
    %mul3A_55 = arith.mulf %mul3A_54, %mul3A_16 : vector<1x2560xf32>
    %mul3A_56 = arith.mulf %mul3A_55, %mul3A_16 : vector<1x2560xf32>
    %sub3A = arith.constant 1.000000e+00 : f32
    %sub3A_57 = vector.broadcast %sub3A : f32 to vector<1x2560xf32>
    %sub3A_58 = arith.subf %mul3A_56, %sub3A_57 : vector<1x2560xf32>
    %mul3A_59 = arith.constant 1.11803401 : f32
    %mul3A_60 = vector.broadcast %mul3A_59 : f32 to vector<1x2560xf32>
    %mul3A_61 = arith.mulf %mul3A_60, %sub3A_58 : vector<1x2560xf32>
    %swap3A_62 = arith.constant 6 : index
    %swap3A_63 = arith.constant 0 : index
    %swap3A_64 = vector.load %arg7[%swap3A_62, %swap3A_63] : memref<16x2560xf32, #tpu.memory_space<vmem>>, vector<1x2560xf32>
    tpu.vector_store %arg7[%swap3A_62, %swap3A_63], %mul3A_61 {strides = array<i32>} : memref<16x2560xf32, #tpu.memory_space<vmem>>, vector<1x2560xf32>,
    %mul3A_65 = arith.constant 3.87298346 : f32
    %mul3A_66 = vector.broadcast %mul3A_65 : f32 to vector<1x2560xf32>
    %mul3A_67 = arith.mulf %mul3A_66, %mul3A_14 : vector<1x2560xf32>
    %mul3A_68 = arith.mulf %mul3A_67, %mul3A_16 : vector<1x2560xf32>
    %swap3A_69 = arith.constant 7 : index
    %swap3A_70 = arith.constant 0 : index
    %swap3A_71 = vector.load %arg7[%swap3A_69, %swap3A_70] : memref<16x2560xf32, #tpu.memory_space<vmem>>, vector<1x2560xf32>
    tpu.vector_store %arg7[%swap3A_69, %swap3A_70], %mul3A_68 {strides = array<i32>} : memref<16x2560xf32, #tpu.memory_space<vmem>>, vector<1x2560xf32>,
    %mul3A_72 = arith.mulf %mul3A_14, %mul3A_14 : vector<1x2560xf32>
    %mul3A_73 = arith.mulf %mul3A_15, %mul3A_15 : vector<1x2560xf32>
    %sub3A_74 = arith.subf %mul3A_72, %mul3A_73 : vector<1x2560xf32>
    %mul3A_75 = arith.constant 1.93649173 : f32
    %mul3A_76 = vector.broadcast %mul3A_75 : f32 to vector<1x2560xf32>
    %mul3A_77 = arith.mulf %mul3A_76, %sub3A_74 : vector<1x2560xf32>
    %swap3A_78 = arith.constant 8 : index
    %swap3A_79 = arith.constant 0 : index
    %swap3A_80 = vector.load %arg7[%swap3A_78, %swap3A_79] : memref<16x2560xf32, #tpu.memory_space<vmem>>, vector<1x2560xf32>
    tpu.vector_store %arg7[%swap3A_78, %swap3A_79], %mul3A_77 {strides = array<i32>} : memref<16x2560xf32, #tpu.memory_space<vmem>>, vector<1x2560xf32>,
    %broadcast_in_dim3A_81 = arith.constant 0.000000e+00 : f32
    %broadcast_in_dim3A_82 = vector.broadcast %broadcast_in_dim3A_81 : f32 to vector<7x2560xf32>
    %swap3A_83 = arith.constant 9 : index
    %swap3A_84 = arith.constant 0 : index
    %swap3A_85 = vector.load %arg7[%swap3A_83, %swap3A_84] : memref<16x2560xf32, #tpu.memory_space<vmem>>, vector<7x2560xf32>
    tpu.vector_store %arg7[%swap3A_83, %swap3A_84], %broadcast_in_dim3A_82 {strides = array<i32>} : memref<16x2560xf32, #tpu.memory_space<vmem>>, vector<7x2560xf32>,
    %get3A_86 = arith.constant 0 : index
    %get3A_87 = arith.constant 0 : index
    %get3A_88 = vector.load %arg5[%get3A_86, %get3A_87] : memref<80x16xf32, #tpu.memory_space<vmem>>, vector<80x16xf32>
    %get3A_89 = arith.constant 0 : index
    %get3A_90 = arith.constant 0 : index
    %get3A_91 = vector.load %arg7[%get3A_89, %get3A_90] : memref<16x2560xf32, #tpu.memory_space<vmem>>, vector<16x2560xf32>
    %dot_general3A = arith.constant dense<0.000000e+00> : vector<80x2560xf32>
    %dot_general3A_92 = tpu.matmul %get3A_88, %get3A_91, %dot_general3A {dimension_numbers = #tpu.dot_dimension_numbers<[1], [0], [0], [1], [0, 0, 1, 1], [], []>, transpose_lhs_hint = false} : vector<80x16xf32>, vector<16x2560xf32>, vector<80x2560xf32> -> vector<80x2560xf32>
    %iota3A = tpu.iota {dimensions = array<i32: 0>} : vector<8x1xi32>
    %add3A_93 = arith.constant 1 : i32
    %add3A_94 = vector.broadcast %add3A_93 : i32 to vector<8x1xi32>
    %add3A_95 = arith.addi %iota3A, %add3A_94 : vector<8x1xi32>
    %convert_element_type3A = arith.sitofp %add3A_95 : vector<8x1xi32> to vector<8x1xf32>
    %mul3A_96 = arith.constant 3.14159274 : f32
    %mul3A_97 = vector.broadcast %mul3A_96 : f32 to vector<8x1xf32>
    %mul3A_98 = arith.mulf %convert_element_type3A, %mul3A_97 : vector<8x1xf32>
    %mul3A_99 = vector.broadcast %mul3A_98 : vector<8x1xf32> to vector<8x2560xf32>
    %mul3A_100 = vector.broadcast %sqrt3A : vector<1x2560xf32> to vector<8x2560xf32>
    %mul3A_101 = arith.mulf %mul3A_99, %mul3A_100 : vector<8x2560xf32>
    %sin3A = math.sin %mul3A_101 : vector<8x2560xf32>
    %mul3A_102 = arith.constant 1.41421354 : f32
    %mul3A_103 = vector.broadcast %mul3A_102 : f32 to vector<8x2560xf32>
    %mul3A_104 = arith.mulf %mul3A_103, %sin3A : vector<8x2560xf32>
    %mul3A_105 = vector.broadcast %div3A_13 : vector<1x2560xf32> to vector<8x2560xf32>
    %mul3A_106 = arith.mulf %mul3A_104, %mul3A_105 : vector<8x2560xf32>
    %jit3A_107 = arith.constant 0.000000e+00 : f32
    %broadcast_in_dim3A_108 = vector.shape_cast %eq3A_11 : vector<1x2560xi1> to vector<1x2560xi1>
    %broadcast_in_dim3A_109 = vector.broadcast %broadcast_in_dim3A_108 : vector<1x2560xi1> to vector<8x2560xi1>
    %broadcast_in_dim3A_110 = vector.broadcast %jit3A_107 : f32 to vector<8x2560xf32>
    %select_n3A_111 = arith.select %broadcast_in_dim3A_109, %broadcast_in_dim3A_110, %mul3A_106 : vector<8x2560xi1>, vector<8x2560xf32>
    %get3A_112 = arith.constant 0 : index
    %get3A_113 = arith.constant 0 : index
    %get3A_114 = arith.constant 0 : index
    %get3A_115 = vector.load %arg2[%get3A_112, %get3A_113, %get3A_114] : memref<4x64x8xf32, #tpu.memory_space<vmem>>, vector<1x64x8xf32>
    %get3A_116 = vector.shape_cast %get3A_115 : vector<1x64x8xf32> to vector<64x8xf32>
    %dot_general3A_117 = arith.constant dense<0.000000e+00> : vector<64x2560xf32>
    %dot_general3A_118 = tpu.matmul %get3A_116, %select_n3A_111, %dot_general3A_117 {dimension_numbers = #tpu.dot_dimension_numbers<[1], [0], [0], [1], [0, 0, 1, 1], [], []>, transpose_lhs_hint = false} : vector<64x8xf32>, vector<8x2560xf32>, vector<64x2560xf32> -> vector<64x2560xf32>
    %logistic3A = arith.negf %dot_general3A_118 : vector<64x2560xf32>
    %logistic3A_119 = math.exp %logistic3A : vector<64x2560xf32>
    %logistic3A_120 = arith.constant 1.000000e+00 : f32
    %logistic3A_121 = vector.broadcast %logistic3A_120 : f32 to vector<64x2560xf32>
    %logistic3A_122 = arith.addf %logistic3A_121, %logistic3A_119 : vector<64x2560xf32>
    %logistic3A_123 = arith.divf %logistic3A_121, %logistic3A_122 : vector<64x2560xf32>
    %mul3A_124 = arith.mulf %dot_general3A_118, %logistic3A_123 : vector<64x2560xf32>
    %get3A_125 = arith.constant 0 : index
    %get3A_126 = arith.constant 0 : index
    %get3A_127 = vector.load %arg4[%get3A_125, %get3A_126] : memref<80x44xf32, #tpu.memory_space<vmem>>, vector<80x44xf32>
    %get3A_128 = arith.constant 0 : index
    %get3A_129 = arith.constant 0 : index
    %get3A_130 = arith.constant 0 : index
    %get3A_131 = vector.load %arg3[%get3A_128, %get3A_129, %get3A_130] : memref<4x44x64xf32, #tpu.memory_space<vmem>>, vector<1x44x64xf32>
    %get3A_132 = vector.shape_cast %get3A_131 : vector<1x44x64xf32> to vector<44x64xf32>
    %dot_general3A_133 = arith.constant dense<0.000000e+00> : vector<80x64xf32>
    %dot_general3A_134 = tpu.matmul %get3A_127, %get3A_132, %dot_general3A_133 {dimension_numbers = #tpu.dot_dimension_numbers<[1], [0], [0], [1], [0, 0, 1, 1], [], []>, transpose_lhs_hint = false} : vector<80x44xf32>, vector<44x64xf32>, vector<80x64xf32> -> vector<80x64xf32>
    %dot_general3A_135 = arith.constant dense<0.000000e+00> : vector<80x2560xf32>
    %dot_general3A_136 = tpu.matmul %dot_general3A_134, %mul3A_124, %dot_general3A_135 {dimension_numbers = #tpu.dot_dimension_numbers<[1], [0], [0], [1], [0, 0, 1, 1], [], []>, transpose_lhs_hint = false} : vector<80x64xf32>, vector<64x2560xf32>, vector<80x2560xf32> -> vector<80x2560xf32>
    %mul3A_137 = arith.mulf %dot_general3A_136, %dot_general3A_92 : vector<80x2560xf32>
    %transpose3A = tpu.transpose %mul3A_137, [1, 0] : vector<80x2560xf32> -> vector<2560x80xf32>
    %swap3A_138 = arith.constant 0 : index
    %swap3A_139 = arith.constant 0 : index
    %swap3A_140 = arith.constant 0 : index
    %swap3A_141 = vector.load %arg6[%swap3A_138, %swap3A_139, %swap3A_140] : memref<4x2560x80xf32, #tpu.memory_space<vmem>>, vector<1x2560x80xf32>
    %swap3A_142 = vector.shape_cast %swap3A_141 : vector<1x2560x80xf32> to vector<2560x80xf32>
    %swap3A_143 = vector.shape_cast %transpose3A : vector<2560x80xf32> to vector<1x2560x80xf32>
    tpu.vector_store %arg6[%swap3A_138, %swap3A_139, %swap3A_140], %swap3A_143 {strides = array<i32>} : memref<4x2560x80xf32, #tpu.memory_space<vmem>>, vector<1x2560x80xf32>,
    %get3A_144 = arith.constant 1 : index
    %get3A_145 = arith.constant 0 : index
    %get3A_146 = arith.constant 0 : index
    %get3A_147 = vector.load %arg2[%get3A_144, %get3A_145, %get3A_146] : memref<4x64x8xf32, #tpu.memory_space<vmem>>, vector<1x64x8xf32>
    %get3A_148 = vector.shape_cast %get3A_147 : vector<1x64x8xf32> to vector<64x8xf32>
    %dot_general3A_149 = arith.constant dense<0.000000e+00> : vector<64x2560xf32>
    %dot_general3A_150 = tpu.matmul %get3A_148, %select_n3A_111, %dot_general3A_149 {dimension_numbers = #tpu.dot_dimension_numbers<[1], [0], [0], [1], [0, 0, 1, 1], [], []>, transpose_lhs_hint = false} : vector<64x8xf32>, vector<8x2560xf32>, vector<64x2560xf32> -> vector<64x2560xf32>
    %logistic3A_151 = arith.negf %dot_general3A_150 : vector<64x2560xf32>
    %logistic3A_152 = math.exp %logistic3A_151 : vector<64x2560xf32>
    %logistic3A_153 = arith.constant 1.000000e+00 : f32
    %logistic3A_154 = vector.broadcast %logistic3A_153 : f32 to vector<64x2560xf32>
    %logistic3A_155 = arith.addf %logistic3A_154, %logistic3A_152 : vector<64x2560xf32>
    %logistic3A_156 = arith.divf %logistic3A_154, %logistic3A_155 : vector<64x2560xf32>
    %mul3A_157 = arith.mulf %dot_general3A_150, %logistic3A_156 : vector<64x2560xf32>
    %get3A_158 = arith.constant 0 : index
    %get3A_159 = arith.constant 0 : index
    %get3A_160 = vector.load %arg4[%get3A_158, %get3A_159] : memref<80x44xf32, #tpu.memory_space<vmem>>, vector<80x44xf32>
    %get3A_161 = arith.constant 1 : index
    %get3A_162 = arith.constant 0 : index
    %get3A_163 = arith.constant 0 : index
    %get3A_164 = vector.load %arg3[%get3A_161, %get3A_162, %get3A_163] : memref<4x44x64xf32, #tpu.memory_space<vmem>>, vector<1x44x64xf32>
    %get3A_165 = vector.shape_cast %get3A_164 : vector<1x44x64xf32> to vector<44x64xf32>
    %dot_general3A_166 = arith.constant dense<0.000000e+00> : vector<80x64xf32>
    %dot_general3A_167 = tpu.matmul %get3A_160, %get3A_165, %dot_general3A_166 {dimension_numbers = #tpu.dot_dimension_numbers<[1], [0], [0], [1], [0, 0, 1, 1], [], []>, transpose_lhs_hint = false} : vector<80x44xf32>, vector<44x64xf32>, vector<80x64xf32> -> vector<80x64xf32>
    %dot_general3A_168 = arith.constant dense<0.000000e+00> : vector<80x2560xf32>
    %dot_general3A_169 = tpu.matmul %dot_general3A_167, %mul3A_157, %dot_general3A_168 {dimension_numbers = #tpu.dot_dimension_numbers<[1], [0], [0], [1], [0, 0, 1, 1], [], []>, transpose_lhs_hint = false} : vector<80x64xf32>, vector<64x2560xf32>, vector<80x2560xf32> -> vector<80x2560xf32>
    %mul3A_170 = arith.mulf %dot_general3A_169, %dot_general3A_92 : vector<80x2560xf32>
    %transpose3A_171 = tpu.transpose %mul3A_170, [1, 0] : vector<80x2560xf32> -> vector<2560x80xf32>
    %swap3A_172 = arith.constant 1 : index
    %swap3A_173 = arith.constant 0 : index
    %swap3A_174 = arith.constant 0 : index
    %swap3A_175 = vector.load %arg6[%swap3A_172, %swap3A_173, %swap3A_174] : memref<4x2560x80xf32, #tpu.memory_space<vmem>>, vector<1x2560x80xf32>
    %swap3A_176 = vector.shape_cast %swap3A_175 : vector<1x2560x80xf32> to vector<2560x80xf32>
    %swap3A_177 = vector.shape_cast %transpose3A_171 : vector<2560x80xf32> to vector<1x2560x80xf32>
    tpu.vector_store %arg6[%swap3A_172, %swap3A_173, %swap3A_174], %swap3A_177 {strides = array<i32>} : memref<4x2560x80xf32, #tpu.memory_space<vmem>>, vector<1x2560x80xf32>,
    %get3A_178 = arith.constant 2 : index
    %get3A_179 = arith.constant 0 : index
    %get3A_180 = arith.constant 0 : index
    %get3A_181 = vector.load %arg2[%get3A_178, %get3A_179, %get3A_180] : memref<4x64x8xf32, #tpu.memory_space<vmem>>, vector<1x64x8xf32>
    %get3A_182 = vector.shape_cast %get3A_181 : vector<1x64x8xf32> to vector<64x8xf32>
    %dot_general3A_183 = arith.constant dense<0.000000e+00> : vector<64x2560xf32>
    %dot_general3A_184 = tpu.matmul %get3A_182, %select_n3A_111, %dot_general3A_183 {dimension_numbers = #tpu.dot_dimension_numbers<[1], [0], [0], [1], [0, 0, 1, 1], [], []>, transpose_lhs_hint = false} : vector<64x8xf32>, vector<8x2560xf32>, vector<64x2560xf32> -> vector<64x2560xf32>
    %logistic3A_185 = arith.negf %dot_general3A_184 : vector<64x2560xf32>
    %logistic3A_186 = math.exp %logistic3A_185 : vector<64x2560xf32>
    %logistic3A_187 = arith.constant 1.000000e+00 : f32
    %logistic3A_188 = vector.broadcast %logistic3A_187 : f32 to vector<64x2560xf32>
    %logistic3A_189 = arith.addf %logistic3A_188, %logistic3A_186 : vector<64x2560xf32>
    %logistic3A_190 = arith.divf %logistic3A_188, %logistic3A_189 : vector<64x2560xf32>
    %mul3A_191 = arith.mulf %dot_general3A_184, %logistic3A_190 : vector<64x2560xf32>
    %get3A_192 = arith.constant 0 : index
    %get3A_193 = arith.constant 0 : index
    %get3A_194 = vector.load %arg4[%get3A_192, %get3A_193] : memref<80x44xf32, #tpu.memory_space<vmem>>, vector<80x44xf32>
    %get3A_195 = arith.constant 2 : index
    %get3A_196 = arith.constant 0 : index
    %get3A_197 = arith.constant 0 : index
    %get3A_198 = vector.load %arg3[%get3A_195, %get3A_196, %get3A_197] : memref<4x44x64xf32, #tpu.memory_space<vmem>>, vector<1x44x64xf32>
    %get3A_199 = vector.shape_cast %get3A_198 : vector<1x44x64xf32> to vector<44x64xf32>
    %dot_general3A_200 = arith.constant dense<0.000000e+00> : vector<80x64xf32>
    %dot_general3A_201 = tpu.matmul %get3A_194, %get3A_199, %dot_general3A_200 {dimension_numbers = #tpu.dot_dimension_numbers<[1], [0], [0], [1], [0, 0, 1, 1], [], []>, transpose_lhs_hint = false} : vector<80x44xf32>, vector<44x64xf32>, vector<80x64xf32> -> vector<80x64xf32>
    %dot_general3A_202 = arith.constant dense<0.000000e+00> : vector<80x2560xf32>
    %dot_general3A_203 = tpu.matmul %dot_general3A_201, %mul3A_191, %dot_general3A_202 {dimension_numbers = #tpu.dot_dimension_numbers<[1], [0], [0], [1], [0, 0, 1, 1], [], []>, transpose_lhs_hint = false} : vector<80x64xf32>, vector<64x2560xf32>, vector<80x2560xf32> -> vector<80x2560xf32>
    %mul3A_204 = arith.mulf %dot_general3A_203, %dot_general3A_92 : vector<80x2560xf32>
    %transpose3A_205 = tpu.transpose %mul3A_204, [1, 0] : vector<80x2560xf32> -> vector<2560x80xf32>
    %swap3A_206 = arith.constant 2 : index
    %swap3A_207 = arith.constant 0 : index
    %swap3A_208 = arith.constant 0 : index
    %swap3A_209 = vector.load %arg6[%swap3A_206, %swap3A_207, %swap3A_208] : memref<4x2560x80xf32, #tpu.memory_space<vmem>>, vector<1x2560x80xf32>
    %swap3A_210 = vector.shape_cast %swap3A_209 : vector<1x2560x80xf32> to vector<2560x80xf32>
    %swap3A_211 = vector.shape_cast %transpose3A_205 : vector<2560x80xf32> to vector<1x2560x80xf32>
    tpu.vector_store %arg6[%swap3A_206, %swap3A_207, %swap3A_208], %swap3A_211 {strides = array<i32>} : memref<4x2560x80xf32, #tpu.memory_space<vmem>>, vector<1x2560x80xf32>,
    %get3A_212 = arith.constant 3 : index
    %get3A_213 = arith.constant 0 : index
    %get3A_214 = arith.constant 0 : index
    %get3A_215 = vector.load %arg2[%get3A_212, %get3A_213, %get3A_214] : memref<4x64x8xf32, #tpu.memory_space<vmem>>, vector<1x64x8xf32>
    %get3A_216 = vector.shape_cast %get3A_215 : vector<1x64x8xf32> to vector<64x8xf32>
    %dot_general3A_217 = arith.constant dense<0.000000e+00> : vector<64x2560xf32>
    %dot_general3A_218 = tpu.matmul %get3A_216, %select_n3A_111, %dot_general3A_217 {dimension_numbers = #tpu.dot_dimension_numbers<[1], [0], [0], [1], [0, 0, 1, 1], [], []>, transpose_lhs_hint = false} : vector<64x8xf32>, vector<8x2560xf32>, vector<64x2560xf32> -> vector<64x2560xf32>
    %logistic3A_219 = arith.negf %dot_general3A_218 : vector<64x2560xf32>
    %logistic3A_220 = math.exp %logistic3A_219 : vector<64x2560xf32>
    %logistic3A_221 = arith.constant 1.000000e+00 : f32
    %logistic3A_222 = vector.broadcast %logistic3A_221 : f32 to vector<64x2560xf32>
    %logistic3A_223 = arith.addf %logistic3A_222, %logistic3A_220 : vector<64x2560xf32>
    %logistic3A_224 = arith.divf %logistic3A_222, %logistic3A_223 : vector<64x2560xf32>
    %mul3A_225 = arith.mulf %dot_general3A_218, %logistic3A_224 : vector<64x2560xf32>
    %get3A_226 = arith.constant 0 : index
    %get3A_227 = arith.constant 0 : index
    %get3A_228 = vector.load %arg4[%get3A_226, %get3A_227] : memref<80x44xf32, #tpu.memory_space<vmem>>, vector<80x44xf32>
    %get3A_229 = arith.constant 3 : index
    %get3A_230 = arith.constant 0 : index
    %get3A_231 = arith.constant 0 : index
    %get3A_232 = vector.load %arg3[%get3A_229, %get3A_230, %get3A_231] : memref<4x44x64xf32, #tpu.memory_space<vmem>>, vector<1x44x64xf32>
    %get3A_233 = vector.shape_cast %get3A_232 : vector<1x44x64xf32> to vector<44x64xf32>
    %dot_general3A_234 = arith.constant dense<0.000000e+00> : vector<80x64xf32>
    %dot_general3A_235 = tpu.matmul %get3A_228, %get3A_233, %dot_general3A_234 {dimension_numbers = #tpu.dot_dimension_numbers<[1], [0], [0], [1], [0, 0, 1, 1], [], []>, transpose_lhs_hint = false} : vector<80x44xf32>, vector<44x64xf32>, vector<80x64xf32> -> vector<80x64xf32>
    %dot_general3A_236 = arith.constant dense<0.000000e+00> : vector<80x2560xf32>
    %dot_general3A_237 = tpu.matmul %dot_general3A_235, %mul3A_225, %dot_general3A_236 {dimension_numbers = #tpu.dot_dimension_numbers<[1], [0], [0], [1], [0, 0, 1, 1], [], []>, transpose_lhs_hint = false} : vector<80x64xf32>, vector<64x2560xf32>, vector<80x2560xf32> -> vector<80x2560xf32>
    %mul3A_238 = arith.mulf %dot_general3A_237, %dot_general3A_92 : vector<80x2560xf32>
    %transpose3A_239 = tpu.transpose %mul3A_238, [1, 0] : vector<80x2560xf32> -> vector<2560x80xf32>
    %swap3A_240 = arith.constant 3 : index
    %swap3A_241 = arith.constant 0 : index
    %swap3A_242 = arith.constant 0 : index
    %swap3A_243 = vector.load %arg6[%swap3A_240, %swap3A_241, %swap3A_242] : memref<4x2560x80xf32, #tpu.memory_space<vmem>>, vector<1x2560x80xf32>
    %swap3A_244 = vector.shape_cast %swap3A_243 : vector<1x2560x80xf32> to vector<2560x80xf32>
    %swap3A_245 = vector.shape_cast %transpose3A_239 : vector<2560x80xf32> to vector<1x2560x80xf32>
    tpu.vector_store %arg6[%swap3A_240, %swap3A_241, %swap3A_242], %swap3A_245 {strides = array<i32>} : memref<4x2560x80xf32, #tpu.memory_space<vmem>>, vector<1x2560x80xf32>,
    return
  }
  func.func @transform_0(%arg0: i32) -> (i32, i32) {
    %c0_i32 = arith.constant 0 : i32
    %c0_i32_0 = arith.constant 0 : i32
    return %c0_i32, %arg0 : i32, i32
  }
  func.func @transform_1(%arg0: i32) -> (i32, i32, i32) {
    %c0_i32 = arith.constant 0 : i32
    %c0_i32_0 = arith.constant 0 : i32
    %c0_i32_1 = arith.constant 0 : i32
    %c0_i32_2 = arith.constant 0 : i32
    return %c0_i32, %c0_i32_0, %c0_i32_1 : i32, i32, i32
  }
  func.func @transform_2(%arg0: i32) -> (i32, i32, i32) {
    %c0_i32 = arith.constant 0 : i32
    %c0_i32_0 = arith.constant 0 : i32
    %c0_i32_1 = arith.constant 0 : i32
    %c0_i32_2 = arith.constant 0 : i32
    return %c0_i32, %c0_i32_0, %c0_i32_1 : i32, i32, i32
  }
  func.func @transform_3(%arg0: i32) -> (i32, i32) {
    %c0_i32 = arith.constant 0 : i32
    %c0_i32_0 = arith.constant 0 : i32
    %c0_i32_1 = arith.constant 0 : i32
    return %c0_i32, %c0_i32_0 : i32, i32
  }
  func.func @transform_4(%arg0: i32) -> (i32, i32) {
    %c0_i32 = arith.constant 0 : i32
    %c0_i32_0 = arith.constant 0 : i32
    %c0_i32_1 = arith.constant 0 : i32
    return %c0_i32, %c0_i32_0 : i32, i32
  }
  func.func @transform_5(%arg0: i32) -> (i32, i32, i32) {
    %c0_i32 = arith.constant 0 : i32
    %c0_i32_0 = arith.constant 0 : i32
    %c0_i32_1 = arith.constant 0 : i32
    return %c0_i32, %arg0, %c0_i32_0 : i32, i32, i32
  }
}

module attributes {stable_mosaic.version = 14 : i64} {
  func.func @_nodeab_body(%arg0: i32, %arg1: memref<1xi32, #tpu.memory_space<smem>>, %arg2: memref<2x2000x80xf32, #tpu.memory_space<vmem>>, %arg3: memref<2000x32xf32, #tpu.memory_space<vmem>>, %arg4: memref<2000x5xf32, #tpu.memory_space<vmem>>, %arg5: memref<80x12xf32, #tpu.memory_space<vmem>>, %arg6: memref<1x12x32xf32, #tpu.memory_space<vmem>>, %arg7: memref<1x32x32xf32, #tpu.memory_space<vmem>>, %arg8: memref<1x32x8xf32, #tpu.memory_space<vmem>>, %arg9: memref<1x32x4xf32, #tpu.memory_space<vmem>>, %arg10: memref<1x5x32x32xf32, #tpu.memory_space<vmem>>, %arg11: memref<44x80xf32, #tpu.memory_space<vmem>>, %arg12: memref<2000x80xf32, #tpu.memory_space<vmem>>, %arg13: memref<2000x32xf32, #tpu.memory_space<vmem>>) attributes {dimension_semantics = [#tpu.dimension_semantics<arbitrary>], iteration_bounds = array<i64: 5>, scalar_prefetch = 1 : i64, scratch_operands = 0 : i64, tpu.core_type = #tpu.core_type<tc>, window_params = [{transform_indices = @transform_0, window_bounds = array<i64: 2, 2000, 80>}, {transform_indices = @transform_1, window_bounds = array<i64: 2000, 32>}, {transform_indices = @transform_2, window_bounds = array<i64: 2000, 5>}, {pipeline_mode = #tpu.pipeline_mode<synchronous>, transform_indices = @transform_3, window_bounds = array<i64: 80, 12>}, {transform_indices = @transform_4, window_bounds = array<i64: 1, 12, 32>}, {transform_indices = @transform_5, window_bounds = array<i64: 1, 32, 32>}, {transform_indices = @transform_6, window_bounds = array<i64: 1, 32, 8>}, {transform_indices = @transform_7, window_bounds = array<i64: 1, 32, 4>}, {transform_indices = @transform_8, window_bounds = array<i64: 1, 5, 32, 32>}, {pipeline_mode = #tpu.pipeline_mode<synchronous>, transform_indices = @transform_9, window_bounds = array<i64: 44, 80>}, {transform_indices = @transform_10, window_bounds = array<i64: 2000, 80>}, {transform_indices = @transform_11, window_bounds = array<i64: 2000, 32>}]} {
    %get3A = arith.constant 0 : index
    %get3A_0 = arith.constant 0 : index
    %get3A_1 = arith.constant 0 : index
    %get3A_2 = vector.load %arg2[%get3A, %get3A_0, %get3A_1] : memref<2x2000x80xf32, #tpu.memory_space<vmem>>, vector<1x2000x80xf32>
    %get3A_3 = vector.shape_cast %get3A_2 : vector<1x2000x80xf32> to vector<2000x80xf32>
    %get3A_4 = arith.constant 1 : index
    %get3A_5 = arith.constant 0 : index
    %get3A_6 = arith.constant 0 : index
    %get3A_7 = vector.load %arg2[%get3A_4, %get3A_5, %get3A_6] : memref<2x2000x80xf32, #tpu.memory_space<vmem>>, vector<1x2000x80xf32>
    %get3A_8 = vector.shape_cast %get3A_7 : vector<1x2000x80xf32> to vector<2000x80xf32>
    %add3A = arith.addf %get3A_3, %get3A_8 : vector<2000x80xf32>
    %mul3A = arith.constant 3.125000e-02 : f32
    %mul3A_9 = vector.broadcast %mul3A : f32 to vector<2000x80xf32>
    %mul3A_10 = arith.mulf %add3A, %mul3A_9 : vector<2000x80xf32>
    %slice3A = vector.extract_strided_slice %mul3A_10 {offsets = [0, 0], sizes = [2000, 32], strides = [1, 1]} : vector<2000x80xf32> to vector<2000x32xf32>
    %get3A_11 = arith.constant 0 : index
    %get3A_12 = arith.constant 0 : index
    %get3A_13 = vector.load %arg3[%get3A_11, %get3A_12] : memref<2000x32xf32, #tpu.memory_space<vmem>>, vector<2000x32xf32>
    %add3A_14 = arith.addf %slice3A, %get3A_13 : vector<2000x32xf32>
    %logistic3A = arith.negf %add3A_14 : vector<2000x32xf32>
    %logistic3A_15 = math.exp %logistic3A : vector<2000x32xf32>
    %logistic3A_16 = arith.constant 1.000000e+00 : f32
    %logistic3A_17 = vector.broadcast %logistic3A_16 : f32 to vector<2000x32xf32>
    %logistic3A_18 = arith.addf %logistic3A_17, %logistic3A_15 : vector<2000x32xf32>
    %logistic3A_19 = arith.divf %logistic3A_17, %logistic3A_18 : vector<2000x32xf32>
    %mul3A_20 = arith.mulf %add3A_14, %logistic3A_19 : vector<2000x32xf32>
    %mul3A_21 = arith.mulf %mul3A_10, %mul3A_10 : vector<2000x80xf32>
    %get3A_22 = arith.constant 0 : index
    %get3A_23 = arith.constant 0 : index
    %get3A_24 = vector.load %arg5[%get3A_22, %get3A_23] : memref<80x12xf32, #tpu.memory_space<vmem>>, vector<80x12xf32>
    %dot_general3A = arith.constant dense<0.000000e+00> : vector<2000x12xf32>
    %dot_general3A_25 = tpu.matmul %mul3A_21, %get3A_24, %dot_general3A {dimension_numbers = #tpu.dot_dimension_numbers<[1], [0], [0], [1], [0, 0, 1, 1], [], []>, transpose_lhs_hint = false} : vector<2000x80xf32>, vector<80x12xf32>, vector<2000x12xf32> -> vector<2000x12xf32>
    %get3A_26 = arith.constant 0 : index
    %get3A_27 = arith.constant 0 : index
    %get3A_28 = arith.constant 0 : index
    %get3A_29 = vector.load %arg6[%get3A_26, %get3A_27, %get3A_28] : memref<1x12x32xf32, #tpu.memory_space<vmem>>, vector<1x12x32xf32>
    %get3A_30 = vector.shape_cast %get3A_29 : vector<1x12x32xf32> to vector<12x32xf32>
    %dot_general3A_31 = arith.constant dense<0.000000e+00> : vector<2000x32xf32>
    %dot_general3A_32 = tpu.matmul %dot_general3A_25, %get3A_30, %dot_general3A_31 {dimension_numbers = #tpu.dot_dimension_numbers<[1], [0], [0], [1], [0, 0, 1, 1], [], []>, transpose_lhs_hint = false} : vector<2000x12xf32>, vector<12x32xf32>, vector<2000x32xf32> -> vector<2000x32xf32>
    %add3A_33 = arith.addf %mul3A_20, %dot_general3A_32 : vector<2000x32xf32>
    %get3A_34 = arith.constant 0 : index
    %get3A_35 = arith.constant 0 : index
    %get3A_36 = arith.constant 0 : index
    %get3A_37 = vector.load %arg7[%get3A_34, %get3A_35, %get3A_36] : memref<1x32x32xf32, #tpu.memory_space<vmem>>, vector<1x32x32xf32>
    %get3A_38 = vector.shape_cast %get3A_37 : vector<1x32x32xf32> to vector<32x32xf32>
    %dot_general3A_39 = arith.constant dense<0.000000e+00> : vector<2000x32xf32>
    %dot_general3A_40 = tpu.matmul %add3A_33, %get3A_38, %dot_general3A_39 {dimension_numbers = #tpu.dot_dimension_numbers<[1], [0], [0], [1], [0, 0, 1, 1], [], []>, transpose_lhs_hint = false} : vector<2000x32xf32>, vector<32x32xf32>, vector<2000x32xf32> -> vector<2000x32xf32>
    %get3A_41 = arith.constant 0 : index
    %get3A_42 = arith.constant 0 : index
    %get3A_43 = vector.load %arg11[%get3A_41, %get3A_42] : memref<44x80xf32, #tpu.memory_space<vmem>>, vector<32x80xf32>
    %dot_general3A_44 = arith.constant dense<0.000000e+00> : vector<2000x80xf32>
    %dot_general3A_45 = tpu.matmul %dot_general3A_40, %get3A_43, %dot_general3A_44 {dimension_numbers = #tpu.dot_dimension_numbers<[1], [0], [0], [1], [0, 0, 1, 1], [], []>, transpose_lhs_hint = false} : vector<2000x32xf32>, vector<32x80xf32>, vector<2000x80xf32> -> vector<2000x80xf32>
    %get3A_46 = arith.constant 0 : index
    %get3A_47 = arith.constant 0 : index
    %get3A_48 = arith.constant 0 : index
    %get3A_49 = vector.load %arg8[%get3A_46, %get3A_47, %get3A_48] : memref<1x32x8xf32, #tpu.memory_space<vmem>>, vector<1x32x8xf32>
    %get3A_50 = vector.shape_cast %get3A_49 : vector<1x32x8xf32> to vector<32x8xf32>
    %dot_general3A_51 = arith.constant dense<0.000000e+00> : vector<2000x8xf32>
    %dot_general3A_52 = tpu.matmul %add3A_33, %get3A_50, %dot_general3A_51 {dimension_numbers = #tpu.dot_dimension_numbers<[1], [0], [0], [1], [0, 0, 1, 1], [], []>, transpose_lhs_hint = false} : vector<2000x32xf32>, vector<32x8xf32>, vector<2000x8xf32> -> vector<2000x8xf32>
    %get3A_53 = arith.constant 32 : index
    %get3A_54 = arith.constant 0 : index
    %get3A_55 = vector.load %arg11[%get3A_53, %get3A_54] : memref<44x80xf32, #tpu.memory_space<vmem>>, vector<8x80xf32>
    %dot_general3A_56 = arith.constant dense<0.000000e+00> : vector<2000x80xf32>
    %dot_general3A_57 = tpu.matmul %dot_general3A_52, %get3A_55, %dot_general3A_56 {dimension_numbers = #tpu.dot_dimension_numbers<[1], [0], [0], [1], [0, 0, 1, 1], [], []>, transpose_lhs_hint = false} : vector<2000x8xf32>, vector<8x80xf32>, vector<2000x80xf32> -> vector<2000x80xf32>
    %add3A_58 = arith.addf %dot_general3A_45, %dot_general3A_57 : vector<2000x80xf32>
    %get3A_59 = arith.constant 0 : index
    %get3A_60 = arith.constant 0 : index
    %get3A_61 = arith.constant 0 : index
    %get3A_62 = vector.load %arg9[%get3A_59, %get3A_60, %get3A_61] : memref<1x32x4xf32, #tpu.memory_space<vmem>>, vector<1x32x4xf32>
    %get3A_63 = vector.shape_cast %get3A_62 : vector<1x32x4xf32> to vector<32x4xf32>
    %dot_general3A_64 = arith.constant dense<0.000000e+00> : vector<2000x4xf32>
    %dot_general3A_65 = tpu.matmul %add3A_33, %get3A_63, %dot_general3A_64 {dimension_numbers = #tpu.dot_dimension_numbers<[1], [0], [0], [1], [0, 0, 1, 1], [], []>, transpose_lhs_hint = false} : vector<2000x32xf32>, vector<32x4xf32>, vector<2000x4xf32> -> vector<2000x4xf32>
    %get3A_66 = arith.constant 40 : index
    %get3A_67 = arith.constant 0 : index
    %get3A_68 = vector.load %arg11[%get3A_66, %get3A_67] : memref<44x80xf32, #tpu.memory_space<vmem>>, vector<4x80xf32>
    %dot_general3A_69 = arith.constant dense<0.000000e+00> : vector<2000x80xf32>
    %dot_general3A_70 = tpu.matmul %dot_general3A_65, %get3A_68, %dot_general3A_69 {dimension_numbers = #tpu.dot_dimension_numbers<[1], [0], [0], [1], [0, 0, 1, 1], [], []>, transpose_lhs_hint = false} : vector<2000x4xf32>, vector<4x80xf32>, vector<2000x80xf32> -> vector<2000x80xf32>
    %add3A_71 = arith.addf %add3A_58, %dot_general3A_70 : vector<2000x80xf32>
    %swap3A = arith.constant 0 : index
    %swap3A_72 = arith.constant 0 : index
    %swap3A_73 = vector.load %arg12[%swap3A, %swap3A_72] : memref<2000x80xf32, #tpu.memory_space<vmem>>, vector<2000x80xf32>
    tpu.vector_store %arg12[%swap3A, %swap3A_72], %add3A_71 {strides = array<i32>} : memref<2000x80xf32, #tpu.memory_space<vmem>>, vector<2000x80xf32>,
    %get3A_74 = arith.constant 0 : index
    %get3A_75 = arith.constant 0 : index
    %get3A_76 = vector.load %arg4[%get3A_74, %get3A_75] : memref<2000x5xf32, #tpu.memory_space<vmem>>, vector<2000x5xf32>
    %broadcast_in_dim3A = arith.constant 0.000000e+00 : f32
    %broadcast_in_dim3A_77 = vector.broadcast %broadcast_in_dim3A : f32 to vector<2000x32xf32>
    %slice3A_78 = vector.extract_strided_slice %get3A_76 {offsets = [0, 0], sizes = [2000, 1], strides = [1, 1]} : vector<2000x5xf32> to vector<2000x1xf32>
    %get3A_79 = arith.constant 0 : index
    %get3A_80 = arith.constant 0 : index
    %get3A_81 = arith.constant 0 : index
    %get3A_82 = arith.constant 0 : index
    %get3A_83 = vector.load %arg10[%get3A_79, %get3A_80, %get3A_81, %get3A_82] : memref<1x5x32x32xf32, #tpu.memory_space<vmem>>, vector<1x1x32x32xf32>
    %get3A_84 = vector.shape_cast %get3A_83 : vector<1x1x32x32xf32> to vector<32x32xf32>
    %dot_general3A_85 = arith.constant dense<0.000000e+00> : vector<2000x32xf32>
    %dot_general3A_86 = tpu.matmul %add3A_33, %get3A_84, %dot_general3A_85 {dimension_numbers = #tpu.dot_dimension_numbers<[1], [0], [0], [1], [0, 0, 1, 1], [], []>, transpose_lhs_hint = false} : vector<2000x32xf32>, vector<32x32xf32>, vector<2000x32xf32> -> vector<2000x32xf32>
    %mul3A_87 = vector.broadcast %slice3A_78 : vector<2000x1xf32> to vector<2000x32xf32>
    %mul3A_88 = arith.mulf %mul3A_87, %dot_general3A_86 : vector<2000x32xf32>
    %add3A_89 = arith.addf %broadcast_in_dim3A_77, %mul3A_88 : vector<2000x32xf32>
    %slice3A_90 = vector.extract_strided_slice %get3A_76 {offsets = [0, 1], sizes = [2000, 1], strides = [1, 1]} : vector<2000x5xf32> to vector<2000x1xf32>
    %get3A_91 = arith.constant 0 : index
    %get3A_92 = arith.constant 1 : index
    %get3A_93 = arith.constant 0 : index
    %get3A_94 = arith.constant 0 : index
    %get3A_95 = vector.load %arg10[%get3A_91, %get3A_92, %get3A_93, %get3A_94] : memref<1x5x32x32xf32, #tpu.memory_space<vmem>>, vector<1x1x32x32xf32>
    %get3A_96 = vector.shape_cast %get3A_95 : vector<1x1x32x32xf32> to vector<32x32xf32>
    %dot_general3A_97 = arith.constant dense<0.000000e+00> : vector<2000x32xf32>
    %dot_general3A_98 = tpu.matmul %add3A_33, %get3A_96, %dot_general3A_97 {dimension_numbers = #tpu.dot_dimension_numbers<[1], [0], [0], [1], [0, 0, 1, 1], [], []>, transpose_lhs_hint = false} : vector<2000x32xf32>, vector<32x32xf32>, vector<2000x32xf32> -> vector<2000x32xf32>
    %mul3A_99 = vector.broadcast %slice3A_90 : vector<2000x1xf32> to vector<2000x32xf32>
    %mul3A_100 = arith.mulf %mul3A_99, %dot_general3A_98 : vector<2000x32xf32>
    %add3A_101 = arith.addf %add3A_89, %mul3A_100 : vector<2000x32xf32>
    %slice3A_102 = vector.extract_strided_slice %get3A_76 {offsets = [0, 2], sizes = [2000, 1], strides = [1, 1]} : vector<2000x5xf32> to vector<2000x1xf32>
    %get3A_103 = arith.constant 0 : index
    %get3A_104 = arith.constant 2 : index
    %get3A_105 = arith.constant 0 : index
    %get3A_106 = arith.constant 0 : index
    %get3A_107 = vector.load %arg10[%get3A_103, %get3A_104, %get3A_105, %get3A_106] : memref<1x5x32x32xf32, #tpu.memory_space<vmem>>, vector<1x1x32x32xf32>
    %get3A_108 = vector.shape_cast %get3A_107 : vector<1x1x32x32xf32> to vector<32x32xf32>
    %dot_general3A_109 = arith.constant dense<0.000000e+00> : vector<2000x32xf32>
    %dot_general3A_110 = tpu.matmul %add3A_33, %get3A_108, %dot_general3A_109 {dimension_numbers = #tpu.dot_dimension_numbers<[1], [0], [0], [1], [0, 0, 1, 1], [], []>, transpose_lhs_hint = false} : vector<2000x32xf32>, vector<32x32xf32>, vector<2000x32xf32> -> vector<2000x32xf32>
    %mul3A_111 = vector.broadcast %slice3A_102 : vector<2000x1xf32> to vector<2000x32xf32>
    %mul3A_112 = arith.mulf %mul3A_111, %dot_general3A_110 : vector<2000x32xf32>
    %add3A_113 = arith.addf %add3A_101, %mul3A_112 : vector<2000x32xf32>
    %slice3A_114 = vector.extract_strided_slice %get3A_76 {offsets = [0, 3], sizes = [2000, 1], strides = [1, 1]} : vector<2000x5xf32> to vector<2000x1xf32>
    %get3A_115 = arith.constant 0 : index
    %get3A_116 = arith.constant 3 : index
    %get3A_117 = arith.constant 0 : index
    %get3A_118 = arith.constant 0 : index
    %get3A_119 = vector.load %arg10[%get3A_115, %get3A_116, %get3A_117, %get3A_118] : memref<1x5x32x32xf32, #tpu.memory_space<vmem>>, vector<1x1x32x32xf32>
    %get3A_120 = vector.shape_cast %get3A_119 : vector<1x1x32x32xf32> to vector<32x32xf32>
    %dot_general3A_121 = arith.constant dense<0.000000e+00> : vector<2000x32xf32>
    %dot_general3A_122 = tpu.matmul %add3A_33, %get3A_120, %dot_general3A_121 {dimension_numbers = #tpu.dot_dimension_numbers<[1], [0], [0], [1], [0, 0, 1, 1], [], []>, transpose_lhs_hint = false} : vector<2000x32xf32>, vector<32x32xf32>, vector<2000x32xf32> -> vector<2000x32xf32>
    %mul3A_123 = vector.broadcast %slice3A_114 : vector<2000x1xf32> to vector<2000x32xf32>
    %mul3A_124 = arith.mulf %mul3A_123, %dot_general3A_122 : vector<2000x32xf32>
    %add3A_125 = arith.addf %add3A_113, %mul3A_124 : vector<2000x32xf32>
    %slice3A_126 = vector.extract_strided_slice %get3A_76 {offsets = [0, 4], sizes = [2000, 1], strides = [1, 1]} : vector<2000x5xf32> to vector<2000x1xf32>
    %get3A_127 = arith.constant 0 : index
    %get3A_128 = arith.constant 4 : index
    %get3A_129 = arith.constant 0 : index
    %get3A_130 = arith.constant 0 : index
    %get3A_131 = vector.load %arg10[%get3A_127, %get3A_128, %get3A_129, %get3A_130] : memref<1x5x32x32xf32, #tpu.memory_space<vmem>>, vector<1x1x32x32xf32>
    %get3A_132 = vector.shape_cast %get3A_131 : vector<1x1x32x32xf32> to vector<32x32xf32>
    %dot_general3A_133 = arith.constant dense<0.000000e+00> : vector<2000x32xf32>
    %dot_general3A_134 = tpu.matmul %add3A_33, %get3A_132, %dot_general3A_133 {dimension_numbers = #tpu.dot_dimension_numbers<[1], [0], [0], [1], [0, 0, 1, 1], [], []>, transpose_lhs_hint = false} : vector<2000x32xf32>, vector<32x32xf32>, vector<2000x32xf32> -> vector<2000x32xf32>
    %mul3A_135 = vector.broadcast %slice3A_126 : vector<2000x1xf32> to vector<2000x32xf32>
    %mul3A_136 = arith.mulf %mul3A_135, %dot_general3A_134 : vector<2000x32xf32>
    %add3A_137 = arith.addf %add3A_125, %mul3A_136 : vector<2000x32xf32>
    %swap3A_138 = arith.constant 0 : index
    %swap3A_139 = arith.constant 0 : index
    %swap3A_140 = vector.load %arg13[%swap3A_138, %swap3A_139] : memref<2000x32xf32, #tpu.memory_space<vmem>>, vector<2000x32xf32>
    tpu.vector_store %arg13[%swap3A_138, %swap3A_139], %add3A_137 {strides = array<i32>} : memref<2000x32xf32, #tpu.memory_space<vmem>>, vector<2000x32xf32>,
    return
  }
  func.func @transform_0(%arg0: i32, %arg1: memref<1xi32, #tpu.memory_space<smem>>) -> (i32, i32, i32) {
    %c0_i32 = arith.constant 0 : i32
    %c0_i32_0 = arith.constant 0 : i32
    %c0_i32_1 = arith.constant 0 : i32
    return %c0_i32, %arg0, %c0_i32_0 : i32, i32, i32
  }
  func.func @transform_1(%arg0: i32, %arg1: memref<1xi32, #tpu.memory_space<smem>>) -> (i32, i32) {
    %c0_i32 = arith.constant 0 : i32
    %c0_i32_0 = arith.constant 0 : i32
    return %arg0, %c0_i32 : i32, i32
  }
  func.func @transform_2(%arg0: i32, %arg1: memref<1xi32, #tpu.memory_space<smem>>) -> (i32, i32) {
    %c0_i32 = arith.constant 0 : i32
    %c0_i32_0 = arith.constant 0 : i32
    return %arg0, %c0_i32 : i32, i32
  }
  func.func @transform_3(%arg0: i32, %arg1: memref<1xi32, #tpu.memory_space<smem>>) -> (i32, i32) {
    %c0_i32 = arith.constant 0 : i32
    %c0_i32_0 = arith.constant 0 : i32
    %c0_i32_1 = arith.constant 0 : i32
    return %c0_i32, %c0_i32_0 : i32, i32
  }
  func.func @transform_4(%arg0: i32, %arg1: memref<1xi32, #tpu.memory_space<smem>>) -> (i32, i32, i32) {
    %get3A = arith.constant 0 : index
    %get3A_0 = memref.load %arg1[%get3A] : memref<1xi32, #tpu.memory_space<smem>>
    %c0_i32 = arith.constant 0 : i32
    %c0_i32_1 = arith.constant 0 : i32
    %c0_i32_2 = arith.constant 0 : i32
    return %get3A_0, %c0_i32, %c0_i32_1 : i32, i32, i32
  }
  func.func @transform_5(%arg0: i32, %arg1: memref<1xi32, #tpu.memory_space<smem>>) -> (i32, i32, i32) {
    %get3A = arith.constant 0 : index
    %get3A_0 = memref.load %arg1[%get3A] : memref<1xi32, #tpu.memory_space<smem>>
    %c0_i32 = arith.constant 0 : i32
    %c0_i32_1 = arith.constant 0 : i32
    %c0_i32_2 = arith.constant 0 : i32
    return %get3A_0, %c0_i32, %c0_i32_1 : i32, i32, i32
  }
  func.func @transform_6(%arg0: i32, %arg1: memref<1xi32, #tpu.memory_space<smem>>) -> (i32, i32, i32) {
    %get3A = arith.constant 0 : index
    %get3A_0 = memref.load %arg1[%get3A] : memref<1xi32, #tpu.memory_space<smem>>
    %c0_i32 = arith.constant 0 : i32
    %c0_i32_1 = arith.constant 0 : i32
    %c0_i32_2 = arith.constant 0 : i32
    return %get3A_0, %c0_i32, %c0_i32_1 : i32, i32, i32
  }
  func.func @transform_7(%arg0: i32, %arg1: memref<1xi32, #tpu.memory_space<smem>>) -> (i32, i32, i32) {
    %get3A = arith.constant 0 : index
    %get3A_0 = memref.load %arg1[%get3A] : memref<1xi32, #tpu.memory_space<smem>>
    %c0_i32 = arith.constant 0 : i32
    %c0_i32_1 = arith.constant 0 : i32
    %c0_i32_2 = arith.constant 0 : i32
    return %get3A_0, %c0_i32, %c0_i32_1 : i32, i32, i32
  }
  func.func @transform_8(%arg0: i32, %arg1: memref<1xi32, #tpu.memory_space<smem>>) -> (i32, i32, i32, i32) {
    %get3A = arith.constant 0 : index
    %get3A_0 = memref.load %arg1[%get3A] : memref<1xi32, #tpu.memory_space<smem>>
    %c0_i32 = arith.constant 0 : i32
    %c0_i32_1 = arith.constant 0 : i32
    %c0_i32_2 = arith.constant 0 : i32
    %c0_i32_3 = arith.constant 0 : i32
    return %get3A_0, %c0_i32, %c0_i32_1, %c0_i32_2 : i32, i32, i32, i32
  }
  func.func @transform_9(%arg0: i32, %arg1: memref<1xi32, #tpu.memory_space<smem>>) -> (i32, i32) {
    %c0_i32 = arith.constant 0 : i32
    %c0_i32_0 = arith.constant 0 : i32
    %c0_i32_1 = arith.constant 0 : i32
    return %c0_i32, %c0_i32_0 : i32, i32
  }
  func.func @transform_10(%arg0: i32, %arg1: memref<1xi32, #tpu.memory_space<smem>>) -> (i32, i32) {
    %c0_i32 = arith.constant 0 : i32
    %c0_i32_0 = arith.constant 0 : i32
    return %arg0, %c0_i32 : i32, i32
  }
  func.func @transform_11(%arg0: i32, %arg1: memref<1xi32, #tpu.memory_space<smem>>) -> (i32, i32) {
    %c0_i32 = arith.constant 0 : i32
    %c0_i32_0 = arith.constant 0 : i32
    return %arg0, %c0_i32 : i32, i32
  }
}

module attributes {stable_mosaic.version = 14 : i64} {
  func.func @_final_body(%arg0: i32, %arg1: memref<2x2000x80xf32, #tpu.memory_space<vmem>>, %arg2: memref<2000x32xf32, #tpu.memory_space<vmem>>, %arg3: memref<80x12xf32, #tpu.memory_space<vmem>>, %arg4: memref<12x32xf32, #tpu.memory_space<vmem>>, %arg5: memref<32x16xf32, #tpu.memory_space<vmem>>, %arg6: memref<16x2xf32, #tpu.memory_space<vmem>>, %arg7: memref<1x1xf32, #tpu.memory_space<vmem>>) attributes {dimension_semantics = [#tpu.dimension_semantics<arbitrary>], iteration_bounds = array<i64: 5>, scalar_prefetch = 0 : i64, scratch_operands = 0 : i64, tpu.core_type = #tpu.core_type<tc>, window_params = [{transform_indices = @transform_0, window_bounds = array<i64: 2, 2000, 80>}, {transform_indices = @transform_1, window_bounds = array<i64: 2000, 32>}, {pipeline_mode = #tpu.pipeline_mode<synchronous>, transform_indices = @transform_2, window_bounds = array<i64: 80, 12>}, {pipeline_mode = #tpu.pipeline_mode<synchronous>, transform_indices = @transform_3, window_bounds = array<i64: 12, 32>}, {pipeline_mode = #tpu.pipeline_mode<synchronous>, transform_indices = @transform_4, window_bounds = array<i64: 32, 16>}, {pipeline_mode = #tpu.pipeline_mode<synchronous>, transform_indices = @transform_5, window_bounds = array<i64: 16, 2>}, {pipeline_mode = #tpu.pipeline_mode<synchronous>, transform_indices = @transform_6, window_bounds = array<i64: 1, 1>}]} {
    %get3A = arith.constant 0 : index
    %get3A_0 = arith.constant 0 : index
    %get3A_1 = arith.constant 0 : index
    %get3A_2 = vector.load %arg1[%get3A, %get3A_0, %get3A_1] : memref<2x2000x80xf32, #tpu.memory_space<vmem>>, vector<1x2000x80xf32>
    %get3A_3 = vector.shape_cast %get3A_2 : vector<1x2000x80xf32> to vector<2000x80xf32>
    %get3A_4 = arith.constant 1 : index
    %get3A_5 = arith.constant 0 : index
    %get3A_6 = arith.constant 0 : index
    %get3A_7 = vector.load %arg1[%get3A_4, %get3A_5, %get3A_6] : memref<2x2000x80xf32, #tpu.memory_space<vmem>>, vector<1x2000x80xf32>
    %get3A_8 = vector.shape_cast %get3A_7 : vector<1x2000x80xf32> to vector<2000x80xf32>
    %add3A = arith.addf %get3A_3, %get3A_8 : vector<2000x80xf32>
    %mul3A = arith.constant 3.125000e-02 : f32
    %mul3A_9 = vector.broadcast %mul3A : f32 to vector<2000x80xf32>
    %mul3A_10 = arith.mulf %add3A, %mul3A_9 : vector<2000x80xf32>
    %slice3A = vector.extract_strided_slice %mul3A_10 {offsets = [0, 0], sizes = [2000, 32], strides = [1, 1]} : vector<2000x80xf32> to vector<2000x32xf32>
    %get3A_11 = arith.constant 0 : index
    %get3A_12 = arith.constant 0 : index
    %get3A_13 = vector.load %arg2[%get3A_11, %get3A_12] : memref<2000x32xf32, #tpu.memory_space<vmem>>, vector<2000x32xf32>
    %add3A_14 = arith.addf %slice3A, %get3A_13 : vector<2000x32xf32>
    %logistic3A = arith.negf %add3A_14 : vector<2000x32xf32>
    %logistic3A_15 = math.exp %logistic3A : vector<2000x32xf32>
    %logistic3A_16 = arith.constant 1.000000e+00 : f32
    %logistic3A_17 = vector.broadcast %logistic3A_16 : f32 to vector<2000x32xf32>
    %logistic3A_18 = arith.addf %logistic3A_17, %logistic3A_15 : vector<2000x32xf32>
    %logistic3A_19 = arith.divf %logistic3A_17, %logistic3A_18 : vector<2000x32xf32>
    %mul3A_20 = arith.mulf %add3A_14, %logistic3A_19 : vector<2000x32xf32>
    %mul3A_21 = arith.mulf %mul3A_10, %mul3A_10 : vector<2000x80xf32>
    %get3A_22 = arith.constant 0 : index
    %get3A_23 = arith.constant 0 : index
    %get3A_24 = vector.load %arg3[%get3A_22, %get3A_23] : memref<80x12xf32, #tpu.memory_space<vmem>>, vector<80x12xf32>
    %dot_general3A = arith.constant dense<0.000000e+00> : vector<2000x12xf32>
    %dot_general3A_25 = tpu.matmul %mul3A_21, %get3A_24, %dot_general3A {dimension_numbers = #tpu.dot_dimension_numbers<[1], [0], [0], [1], [0, 0, 1, 1], [], []>, transpose_lhs_hint = false} : vector<2000x80xf32>, vector<80x12xf32>, vector<2000x12xf32> -> vector<2000x12xf32>
    %get3A_26 = arith.constant 0 : index
    %get3A_27 = arith.constant 0 : index
    %get3A_28 = vector.load %arg4[%get3A_26, %get3A_27] : memref<12x32xf32, #tpu.memory_space<vmem>>, vector<12x32xf32>
    %dot_general3A_29 = arith.constant dense<0.000000e+00> : vector<2000x32xf32>
    %dot_general3A_30 = tpu.matmul %dot_general3A_25, %get3A_28, %dot_general3A_29 {dimension_numbers = #tpu.dot_dimension_numbers<[1], [0], [0], [1], [0, 0, 1, 1], [], []>, transpose_lhs_hint = false} : vector<2000x12xf32>, vector<12x32xf32>, vector<2000x32xf32> -> vector<2000x32xf32>
    %add3A_31 = arith.addf %mul3A_20, %dot_general3A_30 : vector<2000x32xf32>
    %get3A_32 = arith.constant 0 : index
    %get3A_33 = arith.constant 0 : index
    %get3A_34 = vector.load %arg5[%get3A_32, %get3A_33] : memref<32x16xf32, #tpu.memory_space<vmem>>, vector<32x16xf32>
    %dot_general3A_35 = arith.constant dense<0.000000e+00> : vector<2000x16xf32>
    %dot_general3A_36 = tpu.matmul %add3A_31, %get3A_34, %dot_general3A_35 {dimension_numbers = #tpu.dot_dimension_numbers<[1], [0], [0], [1], [0, 0, 1, 1], [], []>, transpose_lhs_hint = false} : vector<2000x32xf32>, vector<32x16xf32>, vector<2000x16xf32> -> vector<2000x16xf32>
    %get3A_37 = arith.constant 0 : index
    %get3A_38 = arith.constant 0 : index
    %get3A_39 = vector.load %arg6[%get3A_37, %get3A_38] : memref<16x2xf32, #tpu.memory_space<vmem>>, vector<16x2xf32>
    %dot_general3A_40 = arith.constant dense<0.000000e+00> : vector<2000x2xf32>
    %dot_general3A_41 = tpu.matmul %dot_general3A_36, %get3A_39, %dot_general3A_40 {dimension_numbers = #tpu.dot_dimension_numbers<[1], [0], [0], [1], [0, 0, 1, 1], [], []>, transpose_lhs_hint = false} : vector<2000x16xf32>, vector<16x2xf32>, vector<2000x2xf32> -> vector<2000x2xf32>
    %slice3A_42 = vector.extract_strided_slice %dot_general3A_41 {offsets = [0, 0], sizes = [2000, 1], strides = [1, 1]} : vector<2000x2xf32> to vector<2000x1xf32>
    %reduce_sum3A = arith.constant dense<0.000000e+00> : vector<1xf32>
    %reduce_sum3A_43 = vector.multi_reduction <add>, %slice3A_42, %reduce_sum3A [0] : vector<2000x1xf32> to vector<1xf32>
    %broadcast_in_dim3A = vector.shape_cast %reduce_sum3A_43 : vector<1xf32> to vector<1x1xf32>
    %eq3A = arith.constant 0 : i32
    %eq3A_44 = arith.cmpi eq, %arg0, %eq3A : i32
    %convert_element_type3A = arith.extui %eq3A_44 : i1 to i32
    %cond3A = arith.constant 0 : i32
    %cond3A_45 = arith.cmpi ne, %convert_element_type3A, %cond3A : i32
    scf.if %cond3A_45 {
      %broadcast_in_dim3A_52 = arith.constant 0.000000e+00 : f32
      %broadcast_in_dim3A_53 = vector.broadcast %broadcast_in_dim3A_52 : f32 to vector<1x1xf32>
      %swap3A_54 = arith.constant 0 : index
      %swap3A_55 = arith.constant 0 : index
      %swap3A_56 = vector.load %arg7[%swap3A_54, %swap3A_55] : memref<1x1xf32, #tpu.memory_space<vmem>>, vector<1x1xf32>
      tpu.vector_store %arg7[%swap3A_54, %swap3A_55], %broadcast_in_dim3A_53 {strides = array<i32>} : memref<1x1xf32, #tpu.memory_space<vmem>>, vector<1x1xf32>,
    } else {
    }
    %get3A_46 = arith.constant 0 : index
    %get3A_47 = arith.constant 0 : index
    %get3A_48 = vector.load %arg7[%get3A_46, %get3A_47] : memref<1x1xf32, #tpu.memory_space<vmem>>, vector<1x1xf32>
    %add3A_49 = arith.addf %get3A_48, %broadcast_in_dim3A : vector<1x1xf32>
    %swap3A = arith.constant 0 : index
    %swap3A_50 = arith.constant 0 : index
    %swap3A_51 = vector.load %arg7[%swap3A, %swap3A_50] : memref<1x1xf32, #tpu.memory_space<vmem>>, vector<1x1xf32>
    tpu.vector_store %arg7[%swap3A, %swap3A_50], %add3A_49 {strides = array<i32>} : memref<1x1xf32, #tpu.memory_space<vmem>>, vector<1x1xf32>,
    return
  }
  func.func @transform_0(%arg0: i32) -> (i32, i32, i32) {
    %c0_i32 = arith.constant 0 : i32
    %c0_i32_0 = arith.constant 0 : i32
    %c0_i32_1 = arith.constant 0 : i32
    return %c0_i32, %arg0, %c0_i32_0 : i32, i32, i32
  }
  func.func @transform_1(%arg0: i32) -> (i32, i32) {
    %c0_i32 = arith.constant 0 : i32
    %c0_i32_0 = arith.constant 0 : i32
    return %arg0, %c0_i32 : i32, i32
  }
  func.func @transform_2(%arg0: i32) -> (i32, i32) {
    %c0_i32 = arith.constant 0 : i32
    %c0_i32_0 = arith.constant 0 : i32
    %c0_i32_1 = arith.constant 0 : i32
    return %c0_i32, %c0_i32_0 : i32, i32
  }
  func.func @transform_3(%arg0: i32) -> (i32, i32) {
    %c0_i32 = arith.constant 0 : i32
    %c0_i32_0 = arith.constant 0 : i32
    %c0_i32_1 = arith.constant 0 : i32
    return %c0_i32, %c0_i32_0 : i32, i32
  }
  func.func @transform_4(%arg0: i32) -> (i32, i32) {
    %c0_i32 = arith.constant 0 : i32
    %c0_i32_0 = arith.constant 0 : i32
    %c0_i32_1 = arith.constant 0 : i32
    return %c0_i32, %c0_i32_0 : i32, i32
  }
  func.func @transform_5(%arg0: i32) -> (i32, i32) {
    %c0_i32 = arith.constant 0 : i32
    %c0_i32_0 = arith.constant 0 : i32
    %c0_i32_1 = arith.constant 0 : i32
    return %c0_i32, %c0_i32_0 : i32, i32
  }
  func.func @transform_6(%arg0: i32) -> (i32, i32) {
    %c0_i32 = arith.constant 0 : i32
    %c0_i32_0 = arith.constant 0 : i32
    %c0_i32_1 = arith.constant 0 : i32
    return %c0_i32, %c0_i32_0 : i32, i32
  }
}

</mosaic_0001>

<sc_bundles>
// kernel: closed_call.30.cloned.1.call-start
scs
__scs_entry_jumppad:
0x0: {  	(pc) =	sbr.rel $0x88, $3  }
0x1: {  	(tag) =	ssettag $0x0;
	lr =	simm.s32 $0x1  }
0x2: {  	[smem:$0x3F7E] =	sst lr;
	_ =	strace $0xD0000000  }
0x3: {  	_ = 	snop  }
0x4: {  	_ = 	snop  }
0x5: {  	_ = 	snop  }
0x6: {  	_ = 	snop  }
0x7: {  	_ = 	snop  }
__scs_overlays_trampoline_lowered:
0x8: {  	[smem:$0x3F8D] =	sst s0  }
0x9: {  	[smem:$0x3F8E] =	sst s1  }
0xa: {  	[smem:$0x3F8F] =	sst s2  }
0xb: {  	[smem:$0x3F90] =	sst s3  }
0xc: {  	[smem:$0x3F91] =	sst s4  }
0xd: {  	[smem:$0x3F92] =	sst s5  }
0xe: {  	[smem:$0x3F93] =	sst s6  }
0xf: {  	[smem:$0x3F94] =	sst s7  }
0x10: {  	[smem:$0x3F95] =	sst s8  }
0x11: {  	[smem:$0x3F96] =	sst s9;
	s0 =	simm.s32 @!p0 $0x0  }
0x12: {  	s1 =	sld [smem:$0x3F7C];
	s0 =	simm.s32 @p0 $0x1  }
0x13: {  	[smem:$0x3F97] =	sst s0;
	s0 =	simm.s32 @!p1 $0x0  }
0x14: {  	s2 =	sld [smem:$0x3F7B];
	s0 =	simm.s32 @p1 $0x1  }
0x15: {  	[smem:$0x3F98] =	sst s0;
	s0 =	simm.s32 @!p2 $0x0  }
0x16: {  	s3 =	sld [smem:$0x3FDB];
	s0 =	simm.s32 @p2 $0x1  }
0x17: {  	s4 =	simm.s32 $0x1BF5;
	[smem:$0x3F9A] =	sst s0  }
0x18: {  	s0 =	sld [smem:$0x3F7D];
	_ =	swait.ge [sflag:s4], $0x0  }
0x19: {  	s7 =	sld [smem:$0x3F7E]  }
0x1a: {  	s8 =	sadd.s32 $0xFFFFE003, lr  }
0x1b: {  	s9 =	sadd.s32 $0xFFFFFEF7, lr;
	s5 =	simm.s32 $0xFFFFFFFF;
	p2 =	slt.u32 s8, $0xFFFFF086  }
0x1c: {  	p1 =	slt.u32 s9, $0xF7A;
	s5 =	simm.s32 @!p2 $0x0  }
0x1d: {  	s5 =	simm.s32 @p1 $0x1;
	p0 =	seq.s32 s7, s2  }
0x1e: {  	s7 =	smul.u32 @!p0 $0xF7A, s2;
	p2 =	seq.s32 @!p0 s5, $0x0  }
0x1f: {  	s9 =	smul.u32 $0xF7A, s1;
	s8 =	simm.s32 @!p0 $0x1BF5;
	p2 =	por !p2, p0  }
0x20: {  	[sflag:s8] =	ssyncset.s32 @!p0 $0xFFFFF086;
	s6 =	sadd.s32 @!p0 s3, s7;
	s7 =	simm.s32 @!p0 $0x108  }
0x21: {  	s3 =	sadd.s32 s3, s9;
	s6 =	sadd.s32 @!p0 $0x88, s6;
	s7 =	simm.s32 @p2 $0x1082  }
0x22: {  	[simem:s7], [sflag:s8] =	dma.local @!p0 [hbm:s6], $0xF7A  }
0x23: {  	s9 =	sor.u32 $0xD0000000, s2;
	s6 =	simm.s32 $0x108;
	_ =	swait.ge @!p0 [sflag:s8], $0x0  }
0x24: {  	s3 =	sadd.s32 $0x88, s3;
	s6 =	simm.s32 @!p1 $0x1082;
	[sflag:s4] =	ssyncset.s32 $0xFFFFF086  }
0x25: {  	[simem:s6], [sflag:s4] =	dma.local [hbm:s3], $0xF7A  }
0x26: {  	[smem:$0x3F7E] =	sst s1;
	(tag) =	ssettag s2;
	_ =	strace s9  }
0x27: {  	s1 =	sld [smem:$0x3F8E]  }
0x28: {  	s2 =	sld [smem:$0x3F8F]  }
0x29: {  	s4 =	sld [smem:$0x3F91]  }
0x2a: {  	p0 =	seq.s32 s5, $0x0;
	s5 =	sld [smem:$0x3F92]  }
0x2b: {  	s6 =	sld [smem:$0x3F93]  }
0x2c: {  	s7 =	sld [smem:$0x3F94]  }
0x2d: {  	s3 =	simm.s32 $0x108;
	s8 =	sld [smem:$0x3F95]  }
0x2e: {  	s3 =	simm.s32 @!p0 $0x1082;
	s9 =	sld [smem:$0x3F96]  }
0x2f: {  	lr =	sadd.s32 s0, s3;
	s0 =	sld [smem:$0x3F8D]  }
0x30: {  	s3 =	sld [smem:$0x3F90]  }
0x31: {  	[smem:$0x3F99] =	sst s10  }
0x32: {  	s10 =	sld [smem:$0x3F97];
	_ =	sdelay $0x3  }
0x33: {  	p0 =	seq.s32 s10, $0x1;
	s10 =	sld [smem:$0x3F99];
	_ =	sdelay $0x3  }
0x34: {  	[smem:$0x3F99] =	sst s10  }
0x35: {  	s10 =	sld [smem:$0x3F98];
	_ =	sdelay $0x3  }
0x36: {  	p1 =	seq.s32 s10, $0x1;
	s10 =	sld [smem:$0x3F99];
	_ =	sdelay $0x3  }
0x37: {  	[smem:$0x3F99] =	sst s10  }
0x38: {  	s10 =	sld [smem:$0x3F9A]  }
0x39: {  	_ = 	snop;
	(pc) =	sbr.ind lr, $3  }
0x3a: {  	_ = 	snop  }
0x3b: {  	_ = 	snop  }
0x3c: {  	p2 =	seq.s32 s10, $0x1;
	s10 =	sld [smem:$0x3F99]  }
0x3d: {  	_ =	shalt  }
0x3e: {  	_ =	shalt  }
0x3f: {  	_ =	shalt  }
0x40: {  	_ =	shalt  }
0x41: {  	_ =	shalt  }
0x42: {  	_ =	shalt  }
0x43: {  	_ =	shalt  }
0x44: {  	_ =	shalt  }
0x45: {  	_ =	shalt  }
0x46: {  	_ =	shalt  }
0x47: {  	_ =	shalt  }
0x48: {  	_ =	shalt  }
0x49: {  	_ =	shalt  }
0x4a: {  	_ =	shalt  }
0x4b: {  	_ =	shalt  }
0x4c: {  	_ =	shalt  }
0x4d: {  	_ =	shalt  }
0x4e: {  	_ =	shalt  }
0x4f: {  	_ =	shalt  }
0x50: {  	_ =	shalt  }
0x51: {  	_ =	shalt  }
0x52: {  	_ =	shalt  }
0x53: {  	_ =	shalt  }
0x54: {  	_ =	shalt  }
0x55: {  	_ =	shalt  }
0x56: {  	_ =	shalt  }
0x57: {  	_ =	shalt  }
0x58: {  	_ =	shalt  }
0x59: {  	_ =	shalt  }
0x5a: {  	_ =	shalt  }
0x5b: {  	_ =	shalt  }
0x5c: {  	_ =	shalt  }
0x5d: {  	_ =	shalt  }
0x5e: {  	_ =	shalt  }
0x5f: {  	_ =	shalt  }
0x60: {  	_ =	shalt  }
0x61: {  	_ =	shalt  }
0x62: {  	_ =	shalt  }
0x63: {  	_ =	shalt  }
0x64: {  	_ =	shalt  }
0x65: {  	_ =	shalt  }
0x66: {  	_ =	shalt  }
0x67: {  	_ =	shalt  }
0x68: {  	_ =	shalt  }
0x69: {  	_ =	shalt  }
0x6a: {  	_ =	shalt  }
0x6b: {  	_ =	shalt  }
0x6c: {  	_ =	shalt  }
0x6d: {  	_ =	shalt  }
0x6e: {  	_ =	shalt  }
0x6f: {  	_ =	shalt  }
0x70: {  	_ =	shalt  }
0x71: {  	_ =	shalt  }
0x72: {  	_ =	shalt  }
0x73: {  	_ =	shalt  }
0x74: {  	_ =	shalt  }
0x75: {  	_ =	shalt  }
0x76: {  	_ =	shalt  }
0x77: {  	_ =	shalt  }
0x78: {  	_ =	shalt  }
0x79: {  	_ =	shalt  }
0x7a: {  	_ =	shalt  }
0x7b: {  	_ =	shalt  }
0x7c: {  	_ =	shalt  }
0x7d: {  	_ =	shalt  }
0x7e: {  	_ =	shalt  }
0x7f: {  	_ =	shalt  }
0x80: {  	_ =	shalt  }
0x81: {  	_ =	shalt  }
0x82: {  	_ =	shalt  }
0x83: {  	_ =	shalt  }
0x84: {  	_ =	shalt  }
0x85: {  	_ =	shalt  }
0x86: {  	_ =	shalt  }
0x87: {  	_ =	shalt  }
.Lfunc_end0:
.L_simem_size_0:
called_computation_lowered:
.L_overlay_start_0:
0x88: {  	s2 =	sld [smem:$0x3FD9]  }
0x89: {  	s3 =	sld [smem:$0x3FFE];
	_ =	sdelay $0x1  }
0x8a: {  	s1 =	srdreg.scid  }
0x8b: {  	s0 =	sand.u32 $0x1, s1  }
0x8c: {  	s16 =	sshll.u32 s0, $0xA;
	s2 =	sadd.s32 s3, s2  }
0x8d: {  	s2 =	sadd.s32 s2, s16  }
0x8e: {  	[smem:$0x3FA5] =	sst s2  }
0x8f: {  	_ = 	snop  }
0x90: {  	(tm) =	ssettm $0x1  }
0x91: {  	s17 =	sld [smem:$0x3FFB];
	_ =	sdelay $0x3  }
0x92: {  	_ =	strace s17  }
0x93: {  	s2 =	sld [smem:$0x3FFC];
	_ =	sdelay $0x3  }
0x94: {  	_ =	strace s2  }
0x95: {  	s2 =	sld [smem:$0x3FFD];
	_ =	sdelay $0x3  }
0x96: {  	_ =	strace s2  }
0x97: {  	_ =	strace $0x8FFFFFFF  }
0x98: {  	s18 =	sld [smem:$0x3FDB];
	_ =	sdelay $0x1  }
0x99: {  	s19 =	simm.s32 $_scs_section_size  }
0x9a: {  	s4 =	simm.s32 $_size__tile_overlayer_lowered;
	s5 =	simm.s32 $_tile_overlayer_lowered  }
0x9b: {  	s22 =	simm.s32 $0x1BFF;
	s21 =	sshll.u32 s5, $0x1;
	s2 =	sadd.s32 s19, s18  }
0x9c: {  	s6 =	simm.s32 $0x0;
	s20 =	sshll.u32 s4, $0x1;
	s4 =	sadd.s32 s21, s2  }
0x9d: {  	[timem:s6], [sflag:s22] =	dma.local [hbm:s4], s20  }
0x9e: {  	_ =	swait.ge [sflag:s22], s20  }
0x9f: {  	s3 =	ssub.s32 $0x0, s20;
	[sflag:s22] =	ssyncset.done $0x0  }
0xa0: {  	[sflag:s22] =	ssyncadd.s32 s3;
	_ =	sdelay $0x1  }
0xa1: {  	s23 =	simm.s32 $0x1B8B  }
0xa2: {  	_ =	swait.ge [sflag:s23], $0x1  }
0xa3: {  	[sflag:s23] =	ssyncset.done $0x0  }
0xa4: {  	s25 =	simm.s32 $0x1B8E;
	s24 =	sld [smem:$0x3FFE];
	[sflag:s23] =	ssyncadd.s32 $0xFFFFFFFF  }
0xa5: {  	s26 =	simm.s32 $execute0_lowered;
	[smem:$0x3FD2] =	sst s25  }
0xa6: {  	s4 =	sshll.u32 s26, $0x1;
	_ =	strace $0x80000046;
	[dreg:$0x1] =	wrdreg $0xFFFFFFFF  }
0xa7: {  	s28 =	simm.s32 $_size_execute0_lowered;
	s2 =	sadd.s32 s2, s4;
	[dreg:$0x0] =	wrdreg $0x0  }
0xa8: {  	s4 =	sshll.u32 s28, $0x1;
	[dreg:$0x2] =	wrdreg s2  }
0xa9: {  	[dreg:$0x3] =	wrdreg s4  }
0xaa: {  	[dreg:$0x4] =	wrdreg $0xC0  }
0xab: {  	_ =	task [dreg:s6], $0x5FFFF  }
0xac: {  	[dreg:$0x1] =	wrdreg $0xFFFFFFFF  }
0xad: {  	[dreg:$0x0] =	wrdreg $0x60  }
0xae: {  	[dreg:$0x2] =	wrdreg s24  }
0xaf: {  	[dreg:$0x3] =	wrdreg $0xA2000  }
0xb0: {  	[dreg:$0x4] =	wrdreg $0x9  }
0xb1: {  	_ =	task.clear_ibuf [dreg:s6], $0x5FFFF;
	_ =	strace $0x90000046  }
0xb2: {  	s29 =	simm.s32 $0x9;
	_ =	strace $0x80000048  }
0xb3: {  	_ =	swait.ge [sflag:s29], $0x1  }
0xb4: {  	[sflag:s29] =	ssyncadd.s32 $0xFFFFFFFF  }
0xb5: {  	_ =	strace $0x90000048  }
0xb6: {  	_ =	sfence  }
0xb7: {  	s30 =	sld [smem:$0x0];
	_ =	sdelay $0x2  }
0xb8: {  	s31 =	sshll.u32 s1, $0xD;
	s1 =	sshrl.u32 s1, $0x2  }
0xb9: {  	s3 =	sand.u32 $0x4000, s31;
	s1 =	sadd.s32 s1, s30  }
0xba: {  	s0 =	sor.u32 s3, s0;
	s1 =	sshll.u32 s1, $0x11  }
0xbb: {  	s0 =	sor.u32 s1, s0  }
0xbc: {  	s0 =	sadd.s32 $0x8F2B, s0  }
0xbd: {  	[sflag:s0] =	ssyncadd.remote.s32 $0x1  }
0xbe: {  	_ =	sfence.sel $0xFFFF  }
0xbf: {  	[dreg:$0x0] =	wrdreg $0xFFFFFFFF;
	(pc) =	sbr.abs _section_cstart, $3  }
0xc0: {  	[dreg:$0x1] =	wrdreg $0xFFFFFFFF  }
0xc1: {  	_ =	task.clear_ibuf [dreg:s6], $0x2FFFF;
	_ =	strace $0x9FFFFFFF  }
0xc2: {  	(tm) =	ssettm $0x7FFFFFFF  }
0xc3: {  	_ =	shalt  }
tec
execute0_lowered:
.L_overlay_start_1:
0x0: {  	(tag) =	ssettag $0x1  }
0x1: {  	s13 =	rddreg [dreg:$0x0]  }
0x2: {  	s2 =	rddreg [dreg:$0x1];
	s3 =	simm.s32 $0x0  }
0x3: {  	s4 =	srdreg.scid;
	s1 =	stileid.u32;
	s17 =	simm.s32 $0x2  }
0x4: {  	s18 =	simm.s32 $0x200;
	s19 =	simm.s32 $0x100;
	s20 =	simm.s32 $0x180  }
0x5: {  	s21 =	simm.s32 $0x1;
	s22 =	simm.s32 $0x16A10;
	s23 =	simm.s32 $0x5200  }
0x6: {  	s24 =	simm.s32 $0x80;
	s25 =	simm.s32 $0x2A00;
	s26 =	simm.s32 $0x0  }
0x7: {  	s9 =	sand.u32 $0x1, s4;
	s7 =	smul.u32 $0x1900, s1;
	s4 =	sadd.s32 $0x218CA00, s13  }
0x8: {  	[smem:$0x7FF] =	sst s3;
	s5 =	sadd.s32 $0x14B8400, s13;
	s11 =	smul.u32 $0x32000, s1  }
0x9: {  	s6 =	sadd.s32 $0xA4400, s13;
	_ =	strace $0x80000047;
	s8 =	smul.u32 $0x19000, s9  }
0xa: {  	v0 =	vimm.f32 $0.0e+00;
	v1 =	vlaneseq.u32;
	s15 =	ssub.s32 $0x2, s9;
	s9 =	sshll.u32 s9, $0x4;
	s31 =	sshrl.u32 s11, $0x2  }
0xb: {  	v2 =	vor.u32 $0x10, v1;
	v3 =	vor.u32 $0x20, v1;
	v4 =	vor.u32 $0x30, v1;
	s16 =	sshrl.u32 s15, $0x1;
	s12 =	sor.u32 s1, s9;
	s10 =	sadd.s32 s7, s8  }
0xc: {  	v5 =	vor.u32 $0x40, v1;
	v6 =	vor.u32 $0x50, v1;
	v7 =	vor.u32 $0x60, v1;
	s7 =	sadd.s32 $0xAE400, s13;
	s8 =	sadd.s32 $0x21A5200, s13;
	s9 =	sadd.s32 s31, s2  }
0xd: {  	v8 =	vor.u32 $0x70, v1;
	v9 =	vor.u32 $0x80, v1;
	v10 =	vor.u32 $0x90, v1;
	s12 =	smul.u32 $0x2800, s12;
	s15 =	ssub.s32 s15, s16;
	s16 =	simm.s32 $0x16A00  }
0xe: {  	v11 =	vor.u32 $0xA0, v1;
	v12 =	vor.u32 $0xB0, v1;
	v13 =	vor.u32 $0xC0, v1;
	s14 =	sadd.s32 s10, s13;
	s10 =	sadd.s32 $0x5000, s9;
	s11 =	sadd.s32 $0xA000, s9  }
0xf: {  	v14 =	vor.u32 $0xD0, v1;
	v15 =	vor.u32 $0xE0, v1;
	v16 =	vor.u32 $0xF0, v1;
	s13 =	sadd.s32 $0xAE410, s13;
	s15 =	smax.u32 s15, $0x1;
	s14 =	sadd.s32 $0x21A5400, s14  }
.LBB2_1:
0x10: {  	[tilespmem:s16], [sflag:$0x2] =	stream.linear.gather [hbm4b:s8+s3], $0x10, $0x38;
	[tilespmem:$0x16B10] =	vst v63  }
0x11: {  	_ =	swait.ge [sflag:s17], $0x10  }
0x12: {  	[sflag:s17] =	ssyncset.done $0x0  }
0x13: {  	s29 =	simm.s32 $0x140;
	s28 =	simm.s32 $0x0;
	[sflag:s17] =	ssyncadd.s32 $0xFFFFFFF0  }
.LBB2_2:
0x14: {  	p0 =	sne.s32 s29, $0x13EC0;
	[tilespmem:s28+$0x240] =	vst v0;
	s30 =	smov.u32 s29;
	s29 =	sadd.s32 $0x140, s29  }
.Ltmp0:
0x15: {  	[tilespmem:s28+$0x230] =	vst v0;
	(pc) =	sbr.rel @p0 .LBB2_2-.Ltmp0, $4  }
0x16: {  	[tilespmem:s28+$0x220] =	vst v0  }
0x17: {  	[tilespmem:s28+$0x200] =	vst v0  }
0x18: {  	[tilespmem:s28+$0x210] =	vst v0  }
0x19: {  	s28 =	sshra.s32 s30, $0x2  }
0x1a: {  	[tilespmem:s28+$0x240] =	vst v0  }
0x1b: {  	[tilespmem:s28+$0x230] =	vst v0  }
0x1c: {  	[tilespmem:s28+$0x220] =	vst v0  }
0x1d: {  	[tilespmem:s28+$0x200] =	vst v0  }
0x1e: {  	[tilespmem:s28+$0x210] =	vst v0  }
0x1f: {  	[spmem:s9] =	stream.linear.scatter [tilespmem:s18], [sflag:$0x2], $0x5000, $0x38;
	[tilespmem:$0x16B10] =	vst v63  }
0x20: {  	_ =	swait.ge [sflag:s17], $0x5000  }
0x21: {  	[sflag:s17] =	ssyncset.done $0x0  }
0x22: {  	[sflag:s17] =	ssyncadd.s32 $0xFFFFB000  }
0x23: {  	[spmem:s10] =	stream.linear.scatter [tilespmem:s18], [sflag:$0x2], $0x5000, $0x38;
	[tilespmem:$0x16B10] =	vst v63  }
0x24: {  	_ =	swait.ge [sflag:s17], $0x5000  }
0x25: {  	[sflag:s17] =	ssyncset.done $0x0  }
0x26: {  	[sflag:s17] =	ssyncadd.s32 $0xFFFFB000  }
0x27: {  	[spmem:s11] =	stream.linear.scatter [tilespmem:s18], [sflag:$0x2], $0x2800, $0x38;
	[tilespmem:$0x16B10] =	vst v63  }
0x28: {  	_ =	swait.ge [sflag:s17], $0x2800  }
0x29: {  	[sflag:s17] =	ssyncset.done $0x0  }
0x2a: {  	[sflag:s17] =	ssyncadd.s32 $0xFFFFD800  }
0x2b: {  	s28 =	simm.s32 $0x0;
	s29 =	simm.s32 $0x0;
	[bflag:$0x0] =	sbarrier.arrive $0xFFFF  }
.LBB2_4:
0x2c: {  	s30 =	sshll.u32 s29, $0x8  }
0x2d: {  	s30 =	sadd.s32 s12, s30  }
0x2e: {  	s31 =	sshrl.u32 s30, $0x3  }
0x2f: {  	s0 =	sadd.s32 s6, s31  }
0x30: {  	[tilespmem:s28], [sflag:$0x2] =	stream.linear.gather [hbm4b:s0+s28], $0x100, $0x38;
	[tilespmem:$0x16B10] =	vst v63  }
0x31: {  	_ =	swait.ge [sflag:s17], $0x100  }
0x32: {  	[sflag:s17] =	ssyncset.done $0x0  }
0x33: {  	s0 =	sadd.s32 s7, s31;
	[sflag:s17] =	ssyncadd.s32 $0xFFFFFF00  }
0x34: {  	[tilespmem:s19], [sflag:$0x2] =	stream.linear.gather [hbm4b:s0+s28], $0x80, $0x38;
	[tilespmem:$0x16B10] =	vst v63  }
0x35: {  	_ =	swait.ge [sflag:s17], $0x80  }
0x36: {  	[sflag:s17] =	ssyncset.done $0x0  }
0x37: {  	s0 =	sadd.s32 s31, s13;
	[sflag:s17] =	ssyncadd.s32 $0xFFFFFF80  }
0x38: {  	[tilespmem:s20], [sflag:$0x2] =	stream.linear.gather [hbm4b:s0+s28], $0x80, $0x38;
	[tilespmem:$0x16B10] =	vst v63  }
0x39: {  	_ =	swait.ge [sflag:s17], $0x80  }
0x3a: {  	[sflag:s17] =	ssyncset.done $0x0  }
0x3b: {  	[sflag:s17] =	ssyncadd.s32 $0xFFFFFF80  }
0x3c: {  	v17 =	vld [tilespmem:$0x16A00];
	_ =	sdelay $0x4  }
0x3d: {  	v17 =	vadd.s32 s30, v17  }
0x3e: {  	v18 =	vadd.s32 v1, v17  }
0x3f: {  	[tilespmem:$0x16A10] =	vst v18;
	v18 =	vadd.s32 v2, v17  }
0x40: {  	[tilespmem:$0x16A20] =	vst v18;
	v18 =	vadd.s32 v3, v17  }
0x41: {  	[tilespmem:$0x16A30] =	vst v18;
	v18 =	vadd.s32 v4, v17  }
0x42: {  	[tilespmem:$0x16A40] =	vst v18;
	v18 =	vadd.s32 v5, v17  }
0x43: {  	[tilespmem:$0x16A50] =	vst v18;
	v18 =	vadd.s32 v6, v17  }
0x44: {  	[tilespmem:$0x16A60] =	vst v18;
	v18 =	vadd.s32 v7, v17  }
0x45: {  	[tilespmem:$0x16A70] =	vst v18;
	v18 =	vadd.s32 v8, v17  }
0x46: {  	[tilespmem:$0x16A80] =	vst v18;
	v18 =	vadd.s32 v9, v17  }
0x47: {  	[tilespmem:$0x16A90] =	vst v18;
	v18 =	vadd.s32 v10, v17  }
0x48: {  	[tilespmem:$0x16AA0] =	vst v18;
	v18 =	vadd.s32 v11, v17  }
0x49: {  	[tilespmem:$0x16AB0] =	vst v18;
	v18 =	vadd.s32 v12, v17  }
0x4a: {  	[tilespmem:$0x16AC0] =	vst v18;
	v18 =	vadd.s32 v13, v17  }
0x4b: {  	[tilespmem:$0x16AD0] =	vst v18;
	v18 =	vadd.s32 v14, v17  }
0x4c: {  	[tilespmem:$0x16AE0] =	vst v18;
	v18 =	vadd.s32 v15, v17  }
0x4d: {  	v17 =	vadd.s32 v16, v17;
	[tilespmem:$0x16AF0] =	vst v18  }
0x4e: {  	[tilespmem:$0x16B00] =	vst v17  }
0x4f: {  	[tilespmem:s18], [sflag:$0x1] =	stream.indirect.gather [hbm4b:s4+s19], $0x50, s28, s19, $0xb8;
	[tilespmem:$0x16B10] =	vst v63  }
0x50: {  	_ =	swait.ge [sflag:s21], $0x5000  }
0x51: {  	[sflag:s21] =	ssyncset.done $0x0  }
0x52: {  	[sflag:s21] =	ssyncadd.s32 $0xFFFFB000  }
0x53: {  	[tilespmem:s23], [sflag:$0x1] =	stream.indirect.gather [hbm4b:s5+s19], $0x50, s22, s19, $0xb8;
	[tilespmem:$0x16B10] =	vst v63  }
0x54: {  	_ =	swait.ge [sflag:s21], $0x5000  }
0x55: {  	[sflag:s21] =	ssyncset.done $0x0  }
0x56: {  	s30 =	simm.s32 $0x0;
	[sflag:s21] =	ssyncadd.s32 $0xFFFFB000  }
0x57: {  	v20 =	vld [tilespmem:s30+$0x5200]  }
0x58: {  	v21 =	vld [tilespmem:s30+$0x5210]  }
0x59: {  	v19 =	vld [tilespmem:s30+$0x5220]  }
0x5a: {  	v18 =	vld [tilespmem:s30+$0x5230]  }
0x5b: {  	v17 =	vld [tilespmem:s30+$0x5240]  }
0x5c: {  	v24 =	vld [tilespmem:s30+$0x200]  }
0x5d: {  	v25 =	vld [tilespmem:s30+$0x210]  }
0x5e: {  	v23 =	vld [tilespmem:s30+$0x220]  }
0x5f: {  	s31 =	simm.s32 $0x140;
	v22 =	vld [tilespmem:s30+$0x230]  }
.LBB2_5:
0x60: {  	s0 =	sshra.s32 s31, $0x2;
	p0 =	sne.s32 s31, $0x13EC0;
	v26 =	vld [tilespmem:s30+$0x240]  }
0x61: {  	v24 =	vmul.f32 v20, v24;
	v20 =	vld [tilespmem:s0+$0x5200]  }
0x62: {  	v25 =	vmul.f32 v21, v25;
	v21 =	vld [tilespmem:s0+$0x5210]  }
0x63: {  	[tilespmem:s30+$0x200] =	vst v24;
	v23 =	vmul.f32 v19, v23;
	v19 =	vld [tilespmem:s0+$0x5220]  }
0x64: {  	[tilespmem:s30+$0x210] =	vst v25;
	v22 =	vmul.f32 v18, v22;
	v18 =	vld [tilespmem:s0+$0x5230]  }
.Ltmp1:
0x65: {  	[tilespmem:s30+$0x220] =	vst v23;
	v23 =	vmul.f32 v17, v26;
	v17 =	vld [tilespmem:s0+$0x5240];
	(pc) =	sbr.rel @p0 .LBB2_5-.Ltmp1, $4  }
0x66: {  	v24 =	vld [tilespmem:s0+$0x200];
	[tilespmem:s30+$0x230] =	vst v22  }
0x67: {  	v25 =	vld [tilespmem:s0+$0x210];
	[tilespmem:s30+$0x240] =	vst v23;
	s30 =	smov.u32 s0  }
0x68: {  	v23 =	vld [tilespmem:s30+$0x220]  }
0x69: {  	s31 =	sadd.s32 $0x140, s31;
	v22 =	vld [tilespmem:s30+$0x230]  }
0x6a: {  	v26 =	vld [tilespmem:s30+$0x240]  }
0x6b: {  	v20 =	vmul.f32 v20, v24  }
0x6c: {  	v21 =	vmul.f32 v21, v25  }
0x6d: {  	[tilespmem:s30+$0x200] =	vst v20;
	v19 =	vmul.f32 v19, v23  }
0x6e: {  	[tilespmem:s30+$0x210] =	vst v21;
	v18 =	vmul.f32 v18, v22  }
0x6f: {  	[tilespmem:s30+$0x220] =	vst v19;
	v17 =	vmul.f32 v17, v26  }
0x70: {  	[tilespmem:s30+$0x230] =	vst v18  }
0x71: {  	[tilespmem:s30+$0x240] =	vst v17  }
0x72: {  	[spmem:s2] =	stream.indirect.scatter.add.f32 [tilespmem:s18], [sflag:$0x2], $0x50, s19, s24, $0xb8;
	[tilespmem:$0x16B10] =	vst v63  }
0x73: {  	s29 =	sadd.s32 $0x1, s29;
	_ =	swait.ge [sflag:s17], $0x2800  }
0x74: {  	p0 =	sne.s32 s29, $0x28;
	[sflag:s17] =	ssyncset.done $0x0  }
.Ltmp2:
0x75: {  	[sflag:s17] =	ssyncadd.s32 $0xFFFFD800;
	(pc) =	sbr.rel @p0 .LBB2_4-.Ltmp2, $4  }
0x76: {  	[spmem:s2] =	stream.indirect.scatter.add.f32 [tilespmem:s25], [sflag:$0x2], $0x50, s20, s24, $0xb8;
	[tilespmem:$0x16B10] =	vst v63  }
0x77: {  	_ =	swait.ge [sflag:s17], $0x2800  }
0x78: {  	[sflag:s17] =	ssyncset.done $0x0  }
0x79: {  	[sflag:s17] =	ssyncadd.s32 $0xFFFFD800  }
0x7a: {  	s26 =	sadd.s32 $0x1, s26  }
0x7b: {  	s0 =	sshll.u32 s1, $0x6;
	[bflag:$0x0] =	sbarrier.arrive $0xFFFF;
	p0 =	sne.s32 s26, s15  }
.Ltmp3:
0x7c: {  	s28 =	sshrl.u32 s9, $0x3;
	s0 =	sor.u32 $0x1C02, s0;
	(pc) =	sbr.rel @p0 .LBB2_1-.Ltmp3, $4  }
0x7d: {  	[hbm:s14], [sflag:s0] =	dma.local [spmem:s28], $0x1900  }
0x7e: {  	_ =	swait.ge [sflag:s17], $0x1900  }
0x7f: {  	[sflag:s17] =	ssyncset.done $0x0  }
0x80: {  	[sflag:s17] =	ssyncadd.s32 $0xFFFFE700  }
0x81: {  	_ =	sfence.sel $0x180000  }
0x82: {  	[bflag:$0x0] =	sbarrier.arrive $0xFFFF  }
0x83: {  	_ =	strace $0x90000047  }
0x84: {  	[bflag:$0x2] =	sbarrier.arrive $0xFFFF  }
0x85: {  	p0 =	sne.s32 s1, $0x0;
	s0 =	rddreg [dreg:$0x2]  }
0x86: {  	s0 =	sadd.s32 @!p0 $0x100000, s0  }
0x87: {  	[sflag:s0] =	ssyncadd.tile.s32 @!p0 $0x1;
	_ =	shalt  }
.Lfunc_end2:
_tile_overlayer_lowered:
.L_overlay_start_2:
0x88: {  	(tag) =	ssettag $0x2  }
0x89: {  	s0 =	rddreg [dreg:$0x0];
	s2 =	stileid.u32  }
0x8a: {  	s1 =	rddreg [dreg:$0x1];
	p0 =	sne.s32 s2, $0x0  }
0x8b: {  	s3 =	rddreg [dreg:$0x2];
	[bflag:$0x3] =	sbarrier.arrive $0xFFFF;
	s2 =	simm.s32 @!p0 $0x1C02  }
0x8c: {  	[timem:s3], [sflag:s2] =	dma.local @!p0 [hbm:s0], s1  }
0x8d: {  	s0 =	simm.s32 @!p0 $0x2  }
0x8e: {  	_ =	swait.ge @!p0 [sflag:s0], s1  }
0x8f: {  	s1 =	ssub.s32 @!p0 $0x0, s1;
	[sflag:s0] =	ssyncset.done @!p0 $0x0  }
0x90: {  	[sflag:s0] =	ssyncadd.s32 @!p0 s1  }
0x91: {  	[bflag:$0x3] =	sbarrier.arrive $0xFFFF  }
0x92: {  	_ =	shalt  }

</sc_bundles>
